<compile_context>
chip_gen: v7x
topology: tpu7x:2x2x1
jax: 0.10.2.dev20260603
libtpu: 0.0.44.dev20260713+nightly
codegen_flags: <defaults>
</compile_context>

<pallas_src>
import functools

import jax
import jax.numpy as jnp
from jax import lax
from jax.experimental import pallas as pl
from jax.experimental.pallas import tpu as pltpu
from jax.experimental.pallas import tpu_sc as plsc

NSAMPLE = 32
L = 16
NC = 2
NS = 16
NW = NC * NS


def _sc_ball_group(qx, qy, qz, sx, sy, sz, features):
    B, npoint = qx.shape
    N = sx.shape[1]
    C = features.shape[1]
    assert (B * npoint) % NW == 0
    QP = (B * npoint) // NW
    WPB = NW // B
    assert N % L == 0
    CHUNKS = N // L

    r2 = jnp.float32(0.1 * 0.1)

    mesh = plsc.VectorSubcoreMesh(core_axis_name="c", subcore_axis_name="s")

    @functools.partial(
        pl.kernel,
        mesh=mesh,
        compiler_params=pltpu.CompilerParams(
            needs_layout_passes=False, use_tc_tiling_on_sc=False),
        out_type=(
            jax.ShapeDtypeStruct((B, 3 + C, npoint, NSAMPLE), jnp.float32),
            jax.ShapeDtypeStruct((B, npoint, NSAMPLE), jnp.int32),
        ),
        scratch_types=[
            pltpu.VMEM((N,), jnp.float32),
            pltpu.VMEM((N,), jnp.float32),
            pltpu.VMEM((N,), jnp.float32),
            pltpu.VMEM((QP,), jnp.float32),
            pltpu.VMEM((QP,), jnp.float32),
            pltpu.VMEM((QP,), jnp.float32),
            pltpu.VMEM((QP * NSAMPLE,), jnp.int32),
            pltpu.VMEM((QP, NSAMPLE), jnp.int32),
            pltpu.VMEM((N,), jnp.float32),
            pltpu.VMEM((QP, NSAMPLE), jnp.float32),
        ],
    )
    def k(qx_h, qy_h, qz_h, sx_h, sy_h, sz_h, feat_h, out_h, msk_h,
          sx_v, sy_v, sz_v, qx_v, qy_v, qz_v, idx_v, mst_v, ch_v, st_v):
        cid = lax.axis_index("c")
        sid = lax.axis_index("s")
        wid = sid * NC + cid
        b = wid // WPB
        qbase = (wid % WPB) * QP

        pltpu.sync_copy(sx_h.at[b], sx_v)
        pltpu.sync_copy(sy_h.at[b], sy_v)
        pltpu.sync_copy(sz_h.at[b], sz_v)
        pltpu.sync_copy(qx_h.at[b, pl.ds(qbase, QP)], qx_v)
        pltpu.sync_copy(qy_h.at[b, pl.ds(qbase, QP)], qy_v)
        pltpu.sync_copy(qz_h.at[b, pl.ds(qbase, QP)], qz_v)

        iota16 = lax.iota(jnp.int32, L)

        def _bf16_round(v):
            u = plsc.bitcast(v, jnp.uint32)
            r = (u + jnp.uint32(0x7FFF) + ((u >> jnp.uint32(16)) & jnp.uint32(1))) & jnp.uint32(0xFFFF0000)
            return plsc.bitcast(r, jnp.float32)

        def prep_body(i, carry):
            bs = i * L
            xs = sx_v[pl.ds(bs, L)]
            ys = sy_v[pl.ds(bs, L)]
            zs = sz_v[pl.ds(bs, L)]
            ch_v[pl.ds(bs, L)] = (xs * xs + ys * ys) + zs * zs
            sx_v[pl.ds(bs, L)] = _bf16_round(xs)
            sy_v[pl.ds(bs, L)] = _bf16_round(ys)
            sz_v[pl.ds(bs, L)] = _bf16_round(zs)
            return carry
        lax.fori_loop(0, CHUNKS, prep_body, 0)

        def qbody(q, carry):
            qsplat = jnp.full((L,), q, jnp.int32)
            qxv = plsc.load_gather(qx_v, [qsplat])
            qyv = plsc.load_gather(qy_v, [qsplat])
            qzv = plsc.load_gather(qz_v, [qsplat])
            q2v = (qxv * qxv + qyv * qyv) + qzv * qzv
            qxb = _bf16_round(qxv)
            qyb = _bf16_round(qyv)
            qzb = _bf16_round(qzv)
            zero16 = jnp.zeros((L,), jnp.int32)
            idx_v[pl.ds(q * NSAMPLE, L)] = zero16
            idx_v[pl.ds(q * NSAMPLE + L, L)] = zero16
            pos_base = jnp.full((L,), q * NSAMPLE, jnp.int32)

            UNROLL = 4

            def cbody(cj, cntv):
                for u in range(UNROLL):
                    bs = (cj * UNROLL + u) * L
                    xs = sx_v[pl.ds(bs, L)]
                    ys = sy_v[pl.ds(bs, L)]
                    zs = sz_v[pl.ds(bs, L)]
                    s2c = ch_v[pl.ds(bs, L)]
                    qs = (qxb * xs + qyb * ys) + qzb * zs
                    d2 = (q2v + s2c) - 2.0 * qs
                    vm = d2 < r2
                    flags = jnp.where(vm, jnp.int32(1), jnp.int32(0))
                    incl = plsc.cumsum(flags)
                    rank = cntv + (incl - flags)
                    wm = vm & (rank < NSAMPLE)
                    pos = pos_base + rank
                    vals = jnp.full((L,), bs, jnp.int32) + iota16
                    plsc.store_scatter(idx_v, [pos], vals, mask=wm)
                    cntv = cntv + plsc.all_reduce_population_count(vm)
                return cntv

            cntv = lax.fori_loop(0, CHUNKS // UNROLL, cbody,
                                 jnp.zeros((L,), jnp.int32))

            m0 = iota16 < cntv
            m1 = (iota16 + L) < cntv
            first = plsc.load_gather(idx_v, [jnp.full((L,), q * NSAMPLE, jnp.int32)])
            v0 = idx_v[pl.ds(q * NSAMPLE, L)]
            v1 = idx_v[pl.ds(q * NSAMPLE + L, L)]
            idx_v[pl.ds(q * NSAMPLE, L)] = jnp.where(m0, v0, first)
            idx_v[pl.ds(q * NSAMPLE + L, L)] = jnp.where(m1, v1, first)
            one16 = jnp.full((L,), 1, jnp.int32)
            mst_v[q, pl.ds(0, L)] = jnp.where(m0, one16, zero16)
            mst_v[q, pl.ds(L, L)] = jnp.where(m1, one16, zero16)
            return carry
        lax.fori_loop(0, QP, qbody, 0)
        pltpu.sync_copy(mst_v, msk_h.at[b, pl.ds(qbase, QP)])

        for j, (sh, qv) in enumerate(((sx_h, qx_v), (sy_h, qy_v), (sz_h, qz_v))):
            pltpu.sync_copy(sh.at[b], ch_v)

            def qxyz(q, carry, qv=qv):
                iv0 = idx_v[pl.ds(q * NSAMPLE, L)]
                iv1 = idx_v[pl.ds(q * NSAMPLE + L, L)]
                qsplat = jnp.full((L,), q, jnp.int32)
                qvv = plsc.load_gather(qv, [qsplat])
                st_v[q, pl.ds(0, L)] = plsc.load_gather(ch_v, [iv0]) - qvv
                st_v[q, pl.ds(L, L)] = plsc.load_gather(ch_v, [iv1]) - qvv
                return carry
            lax.fori_loop(0, QP, qxyz, 0)
            pltpu.sync_copy(st_v, out_h.at[b, j, pl.ds(qbase, QP)])

        def cbody2(c, carry):
            pltpu.sync_copy(feat_h.at[b, c], ch_v)

            def qf(q, c2):
                iv0 = idx_v[pl.ds(q * NSAMPLE, L)]
                iv1 = idx_v[pl.ds(q * NSAMPLE + L, L)]
                st_v[q, pl.ds(0, L)] = plsc.load_gather(ch_v, [iv0])
                st_v[q, pl.ds(L, L)] = plsc.load_gather(ch_v, [iv1])
                return c2
            lax.fori_loop(0, QP, qf, 0)
            pltpu.sync_copy(st_v, out_h.at[b, 3 + c, pl.ds(qbase, QP)])
            return carry
        lax.fori_loop(0, C, cbody2, 0)

    return k(qx, qy, qz, sx, sy, sz, features)


def kernel(query_xyz, support_xyz, query_mask, support_mask, features):
    qx = query_xyz[..., 0]
    qy = query_xyz[..., 1]
    qz = query_xyz[..., 2]
    sx = support_xyz[..., 0]
    sy = support_xyz[..., 1]
    sz = support_xyz[..., 2]
    new_features, mask_i32 = _sc_ball_group(qx, qy, qz, sx, sy, sz, features)
    return new_features, mask_i32 > 0

# --- scband reference (transcript-rebuilt; emitter-appended) ---
"""Pipeline reference for scband-masked-query-and-group-26225070309536 (READ-ONLY COPY).

The authoritative reference and input builder live on the scoring server;
editing this copy changes nothing except your own understanding.
"""

import jax, jax.numpy as jnp
import numpy as np

RADIUS = 0.1
NSAMPLE = 32


def _masked_ordered_ball_query(radius, nsample, query_xyz, support_xyz, query_mask, support_mask):
    # query_xyz: (B, npoint, 3), support_xyz: (B, N, 3)
    B, npoint, _ = query_xyz.shape
    N = support_xyz.shape[1]
    # squared distances via gemm expansion: |q|^2 + |s|^2 - 2 q.s  -> (B, npoint, N)
    q2 = jnp.sum(query_xyz * query_xyz, axis=-1)[:, :, None]
    s2 = jnp.sum(support_xyz * support_xyz, axis=-1)[:, None, :]
    qs = jnp.einsum('bqc,bnc->bqn', query_xyz, support_xyz)
    dist2 = q2 + s2 - 2.0 * qs
    valid = (dist2 < radius * radius)
    valid = valid & support_mask[:, None, :] & query_mask[:, :, None]
    # ordered: pick the first nsample valid support indices (smallest index first)
    n_idx = jnp.arange(N, dtype=jnp.int32)
    score = jnp.where(valid, -n_idx, jnp.int32(-(N + 1)))
    vals, idx = jax.lax.top_k(score, nsample)  # largest score = smallest valid index
    idx_mask = vals > jnp.int32(-(N + 1))
    any_valid = idx_mask[..., :1]
    first = idx[..., :1]
    # pad invalid slots with the first valid index (0 if none valid), matching CUDA op
    idx = jnp.where(idx_mask, idx, jnp.where(any_valid, first, 0))
    return idx.astype(jnp.int32), idx_mask


def _grouping_operation(features, idx):
    # features: (B, C, N), idx: (B, npoint, nsample) -> (B, C, npoint, nsample)
    B, C, N = features.shape
    _, npoint, nsample = idx.shape
    idx_e = jnp.broadcast_to(idx.reshape(B, 1, npoint * nsample), (B, C, npoint * nsample))
    out = jnp.take_along_axis(features, idx_e, axis=2)
    return out.reshape(B, C, npoint, nsample)


def setup_inputs(seed: int = 0) -> dict:
    key = jax.random.key(seed)
    k1, k2, k3 = jax.random.split(key, 3)
    B, npoint, N, C = 4, 2048, 8192, 64
    query_xyz = jax.random.uniform(k1, (B, npoint, 3), dtype=jnp.float32)
    support_xyz = jax.random.uniform(k2, (B, N, 3), dtype=jnp.float32)
    query_mask = jnp.ones((B, npoint), dtype=bool)
    support_mask = jnp.ones((B, N), dtype=bool)
    features = jax.random.normal(k3, (B, C, N), dtype=jnp.float32)
    return {
        'query_xyz': query_xyz,
        'support_xyz': support_xyz,
        'query_mask': query_mask,
        'support_mask': support_mask,
        'features': features,
    }


def reference(query_xyz, support_xyz, query_mask, support_mask, features):
    idx, idx_mask = _masked_ordered_ball_query(RADIUS, NSAMPLE, query_xyz, support_xyz, query_mask, support_mask)
    xyz_t = jnp.transpose(support_xyz, (0, 2, 1))  # (B, 3, N)
    grouped_xyz = _grouping_operation(xyz_t, idx)  # (B, 3, npoint, nsample)
    grouped_xyz = grouped_xyz - jnp.transpose(query_xyz, (0, 2, 1))[..., None]
    # normalize_xyz = False -> no division by radius
    grouped_features = _grouping_operation(features, idx)
    new_features = jnp.concatenate([grouped_xyz, grouped_features], axis=1)  # (B, 3+C, npoint, nsample)
    return new_features, idx_mask

if __name__ == "__main__":
    import jax
    _d = setup_inputs()
    print(jax.jit(kernel)(*tuple(_d.values())))

</pallas_src>

<mosaic_0001>
#map = affine_map<(d0, d1) -> (0, 0)>
#map1 = affine_map<(d0, d1) -> (0, 0, 0)>
#map2 = affine_map<(d0, d1) -> (0)>
#map3 = affine_map<(d0, d1) -> (0, 0, 0, 0)>
module attributes {stable_mosaic.version = 14 : i64} {
  func.func @_rewritten_body(%arg0: i32, %arg1: i32, %arg2: memref<4x2048xf32, #tpu.memory_space<hbm>>, %arg3: memref<4x2048xf32, #tpu.memory_space<hbm>>, %arg4: memref<4x2048xf32, #tpu.memory_space<hbm>>, %arg5: memref<4x8192xf32, #tpu.memory_space<hbm>>, %arg6: memref<4x8192xf32, #tpu.memory_space<hbm>>, %arg7: memref<4x8192xf32, #tpu.memory_space<hbm>>, %arg8: memref<4x64x8192xf32, #tpu.memory_space<hbm>>, %arg9: memref<1xf32, #tpu.memory_space<hbm>>, %arg10: memref<4x67x2048x32xf32, #tpu.memory_space<hbm>>, %arg11: memref<4x2048x32xi32, #tpu.memory_space<hbm>>, %arg12: memref<8192xf32, #tpu.memory_space<vmem>>, %arg13: memref<8192xf32, #tpu.memory_space<vmem>>, %arg14: memref<8192xf32, #tpu.memory_space<vmem>>, %arg15: memref<256xf32, #tpu.memory_space<vmem>>, %arg16: memref<256xf32, #tpu.memory_space<vmem>>, %arg17: memref<256xf32, #tpu.memory_space<vmem>>, %arg18: memref<8192xi32, #tpu.memory_space<vmem>>, %arg19: memref<256x32xi32, #tpu.memory_space<vmem>>, %arg20: memref<8192xf32, #tpu.memory_space<vmem>>, %arg21: memref<256x32xf32, #tpu.memory_space<vmem>>) attributes {dimension_semantics = [#tpu.dimension_semantics<core_parallel>, #tpu.dimension_semantics<subcore_parallel>], iteration_bounds = array<i64: 2, 16>, scalar_prefetch = 0 : i64, scratch_operands = 10 : i64, tpu.core_type = #tpu.core_type<sc_vector_subcore>, window_params = [{transform_indices = #map}, {transform_indices = #map}, {transform_indices = #map}, {transform_indices = #map}, {transform_indices = #map}, {transform_indices = #map}, {transform_indices = #map1}, {transform_indices = #map2}, {transform_indices = #map3}, {transform_indices = #map1}]} {
    %empty_ref3A = memref.alloca() : memref<16xf32, #tpu.memory_space<vmem>>
    "tpu.region"() ({
      %run_scoped3A_71 = tpu.sem_alloc : memref<!tpu.dma_semaphore, #tpu.memory_space<semaphore_mem>>
      %dma_start3A = arith.constant 0 : i32
      %dma_start3A_72 = tpu.memref_slice %empty_ref3A[%dma_start3A] : memref<16xf32, #tpu.memory_space<vmem>> -> memref<1xf32, #tpu.memory_space<vmem>>
      %dma_start3A_73 = arith.constant 0 : i32
      %dma_start3A_74 = tpu.memref_slice %empty_ref3A[%dma_start3A_73] : memref<16xf32, #tpu.memory_space<vmem>> -> memref<1xf32, #tpu.memory_space<vmem>>
      tpu.enqueue_dma source(%arg9 : memref<1xf32, #tpu.memory_space<hbm>>) target(%dma_start3A_74 : memref<1xf32, #tpu.memory_space<vmem>>) target_semaphore(%run_scoped3A_71 : memref<!tpu.dma_semaphore, #tpu.memory_space<semaphore_mem>>)
      %dma_wait3A = arith.constant 0 : i32
      %dma_wait3A_75 = tpu.memref_slice %empty_ref3A[%dma_wait3A] : memref<16xf32, #tpu.memory_space<vmem>> -> memref<1xf32, #tpu.memory_space<vmem>>
      %dma_wait3A_76 = arith.constant 0 : i32
      %dma_wait3A_77 = tpu.memref_slice %empty_ref3A[%dma_wait3A_76] : memref<16xf32, #tpu.memory_space<vmem>> -> memref<1xf32, #tpu.memory_space<vmem>>
      tpu.wait_dma2 semaphore(%run_scoped3A_71 : memref<!tpu.dma_semaphore, #tpu.memory_space<semaphore_mem>>) src(%arg9 : memref<1xf32, #tpu.memory_space<hbm>>) dst(%dma_wait3A_77 : memref<1xf32, #tpu.memory_space<vmem>>)
      tpu.yield
    }) : () -> ()
    %get3A = arith.constant 0 : index
    %get3A_0 = tpu.vector_load %empty_ref3A[%get3A] {strides = array<i32>} : memref<16xf32, #tpu.memory_space<vmem>>, vector<16xf32>,
    %slice3A = vector.extract_strided_slice %get3A_0 {offsets = [0], sizes = [1], strides = [1]} : vector<16xf32> to vector<1xf32>
    %squeeze3A = vector.extract %slice3A[0] : f32 from vector<1xf32>
    %mul3A = arith.constant 2 : i32
    %mul3A_1 = arith.muli %arg1, %mul3A : i32
    %add3A = arith.addi %mul3A_1, %arg0 : i32
    %jit3A = arith.constant 8 : i32
    %div3A = arith.divsi %add3A, %jit3A : i32
    %sign3A = arith.constant 0 : i32
    %sign3A_2 = arith.cmpi sgt, %add3A, %sign3A : i32
    %sign3A_3 = arith.extui %sign3A_2 : i1 to i32
    %sign3A_4 = arith.constant 0 : i32
    %sign3A_5 = arith.cmpi slt, %add3A, %sign3A_4 : i32
    %sign3A_6 = arith.extui %sign3A_5 : i1 to i32
    %sign3A_7 = arith.subi %sign3A_3, %sign3A_6 : i32
    %sign3A_8 = arith.constant 0 : i32
    %sign3A_9 = arith.cmpi sgt, %jit3A, %sign3A_8 : i32
    %sign3A_10 = arith.extui %sign3A_9 : i1 to i32
    %sign3A_11 = arith.constant 0 : i32
    %sign3A_12 = arith.cmpi slt, %jit3A, %sign3A_11 : i32
    %sign3A_13 = arith.extui %sign3A_12 : i1 to i32
    %sign3A_14 = arith.subi %sign3A_10, %sign3A_13 : i32
    %ne3A = arith.cmpi ne, %sign3A_7, %sign3A_14 : i32
    %rem3A = arith.remsi %add3A, %jit3A : i32
    %ne3A_15 = arith.constant 0 : i32
    %ne3A_16 = arith.cmpi ne, %rem3A, %ne3A_15 : i32
    %and3A = arith.andi %ne3A, %ne3A_16 : i1
    %sub3A = arith.constant 1 : i32
    %sub3A_17 = arith.subi %div3A, %sub3A : i32
    %select_n3A = arith.select %and3A, %sub3A_17, %div3A : i32
    %jit3A_18 = arith.constant 8 : i32
    %eq3A = arith.constant 0 : i32
    %eq3A_19 = arith.cmpi eq, %jit3A_18, %eq3A : i32
    %jit3A_20 = arith.constant 1 : i32
    %select_n3A_21 = arith.select %eq3A_19, %jit3A_20, %jit3A_18 : i32
    %rem3A_22 = arith.remsi %add3A, %select_n3A_21 : i32
    %ne3A_23 = arith.constant 0 : i32
    %ne3A_24 = arith.cmpi ne, %rem3A_22, %ne3A_23 : i32
    %lt3A = arith.constant 0 : i32
    %lt3A_25 = arith.cmpi slt, %rem3A_22, %lt3A : i32
    %lt3A_26 = arith.constant 0 : i32
    %lt3A_27 = arith.cmpi slt, %select_n3A_21, %lt3A_26 : i32
    %ne3A_28 = arith.xori %lt3A_25, %lt3A_27 : i1
    %and3A_29 = arith.andi %ne3A_28, %ne3A_24 : i1
    %add3A_30 = arith.addi %rem3A_22, %select_n3A_21 : i32
    %select_n3A_31 = arith.select %and3A_29, %add3A_30, %rem3A_22 : i32
    %mul3A_32 = arith.constant 256 : i32
    %mul3A_33 = arith.muli %select_n3A_31, %mul3A_32 : i32
    "tpu.region"() ({
      %run_scoped3A_71 = tpu.sem_alloc : memref<!tpu.dma_semaphore, #tpu.memory_space<semaphore_mem>>
      %dma_start3A = arith.constant 0 : i32
      %dma_start3A_72 = tpu.memref_slice %arg5[%select_n3A, %dma_start3A] : memref<4x8192xf32, #tpu.memory_space<hbm>> -> memref<1x8192xf32, #tpu.memory_space<hbm>>
      %dma_start3A_73 = tpu.memref_squeeze %dma_start3A_72 : memref<1x8192xf32, #tpu.memory_space<hbm>> -> memref<8192xf32, #tpu.memory_space<hbm>>
      %dma_start3A_74 = arith.constant 0 : i32
      %dma_start3A_75 = tpu.memref_slice %arg5[%select_n3A, %dma_start3A_74] : memref<4x8192xf32, #tpu.memory_space<hbm>> -> memref<1x8192xf32, #tpu.memory_space<hbm>>
      %dma_start3A_76 = tpu.memref_squeeze %dma_start3A_75 : memref<1x8192xf32, #tpu.memory_space<hbm>> -> memref<8192xf32, #tpu.memory_space<hbm>>
      tpu.enqueue_dma source(%dma_start3A_76 : memref<8192xf32, #tpu.memory_space<hbm>>) target(%arg12 : memref<8192xf32, #tpu.memory_space<vmem>>) target_semaphore(%run_scoped3A_71 : memref<!tpu.dma_semaphore, #tpu.memory_space<semaphore_mem>>)
      %dma_wait3A = arith.constant 0 : i32
      %dma_wait3A_77 = tpu.memref_slice %arg5[%select_n3A, %dma_wait3A] : memref<4x8192xf32, #tpu.memory_space<hbm>> -> memref<1x8192xf32, #tpu.memory_space<hbm>>
      %dma_wait3A_78 = tpu.memref_squeeze %dma_wait3A_77 : memref<1x8192xf32, #tpu.memory_space<hbm>> -> memref<8192xf32, #tpu.memory_space<hbm>>
      %dma_wait3A_79 = arith.constant 0 : i32
      %dma_wait3A_80 = tpu.memref_slice %arg5[%select_n3A, %dma_wait3A_79] : memref<4x8192xf32, #tpu.memory_space<hbm>> -> memref<1x8192xf32, #tpu.memory_space<hbm>>
      %dma_wait3A_81 = tpu.memref_squeeze %dma_wait3A_80 : memref<1x8192xf32, #tpu.memory_space<hbm>> -> memref<8192xf32, #tpu.memory_space<hbm>>
      tpu.wait_dma2 semaphore(%run_scoped3A_71 : memref<!tpu.dma_semaphore, #tpu.memory_space<semaphore_mem>>) src(%dma_wait3A_81 : memref<8192xf32, #tpu.memory_space<hbm>>) dst(%arg12 : memref<8192xf32, #tpu.memory_space<vmem>>)
      tpu.yield
    }) : () -> ()
    "tpu.region"() ({
      %run_scoped3A_71 = tpu.sem_alloc : memref<!tpu.dma_semaphore, #tpu.memory_space<semaphore_mem>>
      %dma_start3A = arith.constant 0 : i32
      %dma_start3A_72 = tpu.memref_slice %arg6[%select_n3A, %dma_start3A] : memref<4x8192xf32, #tpu.memory_space<hbm>> -> memref<1x8192xf32, #tpu.memory_space<hbm>>
      %dma_start3A_73 = tpu.memref_squeeze %dma_start3A_72 : memref<1x8192xf32, #tpu.memory_space<hbm>> -> memref<8192xf32, #tpu.memory_space<hbm>>
      %dma_start3A_74 = arith.constant 0 : i32
      %dma_start3A_75 = tpu.memref_slice %arg6[%select_n3A, %dma_start3A_74] : memref<4x8192xf32, #tpu.memory_space<hbm>> -> memref<1x8192xf32, #tpu.memory_space<hbm>>
      %dma_start3A_76 = tpu.memref_squeeze %dma_start3A_75 : memref<1x8192xf32, #tpu.memory_space<hbm>> -> memref<8192xf32, #tpu.memory_space<hbm>>
      tpu.enqueue_dma source(%dma_start3A_76 : memref<8192xf32, #tpu.memory_space<hbm>>) target(%arg13 : memref<8192xf32, #tpu.memory_space<vmem>>) target_semaphore(%run_scoped3A_71 : memref<!tpu.dma_semaphore, #tpu.memory_space<semaphore_mem>>)
      %dma_wait3A = arith.constant 0 : i32
      %dma_wait3A_77 = tpu.memref_slice %arg6[%select_n3A, %dma_wait3A] : memref<4x8192xf32, #tpu.memory_space<hbm>> -> memref<1x8192xf32, #tpu.memory_space<hbm>>
      %dma_wait3A_78 = tpu.memref_squeeze %dma_wait3A_77 : memref<1x8192xf32, #tpu.memory_space<hbm>> -> memref<8192xf32, #tpu.memory_space<hbm>>
      %dma_wait3A_79 = arith.constant 0 : i32
      %dma_wait3A_80 = tpu.memref_slice %arg6[%select_n3A, %dma_wait3A_79] : memref<4x8192xf32, #tpu.memory_space<hbm>> -> memref<1x8192xf32, #tpu.memory_space<hbm>>
      %dma_wait3A_81 = tpu.memref_squeeze %dma_wait3A_80 : memref<1x8192xf32, #tpu.memory_space<hbm>> -> memref<8192xf32, #tpu.memory_space<hbm>>
      tpu.wait_dma2 semaphore(%run_scoped3A_71 : memref<!tpu.dma_semaphore, #tpu.memory_space<semaphore_mem>>) src(%dma_wait3A_81 : memref<8192xf32, #tpu.memory_space<hbm>>) dst(%arg13 : memref<8192xf32, #tpu.memory_space<vmem>>)
      tpu.yield
    }) : () -> ()
    "tpu.region"() ({
      %run_scoped3A_71 = tpu.sem_alloc : memref<!tpu.dma_semaphore, #tpu.memory_space<semaphore_mem>>
      %dma_start3A = arith.constant 0 : i32
      %dma_start3A_72 = tpu.memref_slice %arg7[%select_n3A, %dma_start3A] : memref<4x8192xf32, #tpu.memory_space<hbm>> -> memref<1x8192xf32, #tpu.memory_space<hbm>>
      %dma_start3A_73 = tpu.memref_squeeze %dma_start3A_72 : memref<1x8192xf32, #tpu.memory_space<hbm>> -> memref<8192xf32, #tpu.memory_space<hbm>>
      %dma_start3A_74 = arith.constant 0 : i32
      %dma_start3A_75 = tpu.memref_slice %arg7[%select_n3A, %dma_start3A_74] : memref<4x8192xf32, #tpu.memory_space<hbm>> -> memref<1x8192xf32, #tpu.memory_space<hbm>>
      %dma_start3A_76 = tpu.memref_squeeze %dma_start3A_75 : memref<1x8192xf32, #tpu.memory_space<hbm>> -> memref<8192xf32, #tpu.memory_space<hbm>>
      tpu.enqueue_dma source(%dma_start3A_76 : memref<8192xf32, #tpu.memory_space<hbm>>) target(%arg14 : memref<8192xf32, #tpu.memory_space<vmem>>) target_semaphore(%run_scoped3A_71 : memref<!tpu.dma_semaphore, #tpu.memory_space<semaphore_mem>>)
      %dma_wait3A = arith.constant 0 : i32
      %dma_wait3A_77 = tpu.memref_slice %arg7[%select_n3A, %dma_wait3A] : memref<4x8192xf32, #tpu.memory_space<hbm>> -> memref<1x8192xf32, #tpu.memory_space<hbm>>
      %dma_wait3A_78 = tpu.memref_squeeze %dma_wait3A_77 : memref<1x8192xf32, #tpu.memory_space<hbm>> -> memref<8192xf32, #tpu.memory_space<hbm>>
      %dma_wait3A_79 = arith.constant 0 : i32
      %dma_wait3A_80 = tpu.memref_slice %arg7[%select_n3A, %dma_wait3A_79] : memref<4x8192xf32, #tpu.memory_space<hbm>> -> memref<1x8192xf32, #tpu.memory_space<hbm>>
      %dma_wait3A_81 = tpu.memref_squeeze %dma_wait3A_80 : memref<1x8192xf32, #tpu.memory_space<hbm>> -> memref<8192xf32, #tpu.memory_space<hbm>>
      tpu.wait_dma2 semaphore(%run_scoped3A_71 : memref<!tpu.dma_semaphore, #tpu.memory_space<semaphore_mem>>) src(%dma_wait3A_81 : memref<8192xf32, #tpu.memory_space<hbm>>) dst(%arg14 : memref<8192xf32, #tpu.memory_space<vmem>>)
      tpu.yield
    }) : () -> ()
    "tpu.region"() ({
      %run_scoped3A_71 = tpu.sem_alloc : memref<!tpu.dma_semaphore, #tpu.memory_space<semaphore_mem>>
      %dma_start3A = tpu.memref_slice %arg2[%select_n3A, %mul3A_33] : memref<4x2048xf32, #tpu.memory_space<hbm>> -> memref<1x256xf32, #tpu.memory_space<hbm>>
      %dma_start3A_72 = tpu.memref_squeeze %dma_start3A : memref<1x256xf32, #tpu.memory_space<hbm>> -> memref<256xf32, #tpu.memory_space<hbm>>
      %dma_start3A_73 = tpu.memref_slice %arg2[%select_n3A, %mul3A_33] : memref<4x2048xf32, #tpu.memory_space<hbm>> -> memref<1x256xf32, #tpu.memory_space<hbm>>
      %dma_start3A_74 = tpu.memref_squeeze %dma_start3A_73 : memref<1x256xf32, #tpu.memory_space<hbm>> -> memref<256xf32, #tpu.memory_space<hbm>>
      tpu.enqueue_dma source(%dma_start3A_74 : memref<256xf32, #tpu.memory_space<hbm>>) target(%arg15 : memref<256xf32, #tpu.memory_space<vmem>>) target_semaphore(%run_scoped3A_71 : memref<!tpu.dma_semaphore, #tpu.memory_space<semaphore_mem>>)
      %dma_wait3A = tpu.memref_slice %arg2[%select_n3A, %mul3A_33] : memref<4x2048xf32, #tpu.memory_space<hbm>> -> memref<1x256xf32, #tpu.memory_space<hbm>>
      %dma_wait3A_75 = tpu.memref_squeeze %dma_wait3A : memref<1x256xf32, #tpu.memory_space<hbm>> -> memref<256xf32, #tpu.memory_space<hbm>>
      %dma_wait3A_76 = tpu.memref_slice %arg2[%select_n3A, %mul3A_33] : memref<4x2048xf32, #tpu.memory_space<hbm>> -> memref<1x256xf32, #tpu.memory_space<hbm>>
      %dma_wait3A_77 = tpu.memref_squeeze %dma_wait3A_76 : memref<1x256xf32, #tpu.memory_space<hbm>> -> memref<256xf32, #tpu.memory_space<hbm>>
      tpu.wait_dma2 semaphore(%run_scoped3A_71 : memref<!tpu.dma_semaphore, #tpu.memory_space<semaphore_mem>>) src(%dma_wait3A_77 : memref<256xf32, #tpu.memory_space<hbm>>) dst(%arg15 : memref<256xf32, #tpu.memory_space<vmem>>)
      tpu.yield
    }) : () -> ()
    "tpu.region"() ({
      %run_scoped3A_71 = tpu.sem_alloc : memref<!tpu.dma_semaphore, #tpu.memory_space<semaphore_mem>>
      %dma_start3A = tpu.memref_slice %arg3[%select_n3A, %mul3A_33] : memref<4x2048xf32, #tpu.memory_space<hbm>> -> memref<1x256xf32, #tpu.memory_space<hbm>>
      %dma_start3A_72 = tpu.memref_squeeze %dma_start3A : memref<1x256xf32, #tpu.memory_space<hbm>> -> memref<256xf32, #tpu.memory_space<hbm>>
      %dma_start3A_73 = tpu.memref_slice %arg3[%select_n3A, %mul3A_33] : memref<4x2048xf32, #tpu.memory_space<hbm>> -> memref<1x256xf32, #tpu.memory_space<hbm>>
      %dma_start3A_74 = tpu.memref_squeeze %dma_start3A_73 : memref<1x256xf32, #tpu.memory_space<hbm>> -> memref<256xf32, #tpu.memory_space<hbm>>
      tpu.enqueue_dma source(%dma_start3A_74 : memref<256xf32, #tpu.memory_space<hbm>>) target(%arg16 : memref<256xf32, #tpu.memory_space<vmem>>) target_semaphore(%run_scoped3A_71 : memref<!tpu.dma_semaphore, #tpu.memory_space<semaphore_mem>>)
      %dma_wait3A = tpu.memref_slice %arg3[%select_n3A, %mul3A_33] : memref<4x2048xf32, #tpu.memory_space<hbm>> -> memref<1x256xf32, #tpu.memory_space<hbm>>
      %dma_wait3A_75 = tpu.memref_squeeze %dma_wait3A : memref<1x256xf32, #tpu.memory_space<hbm>> -> memref<256xf32, #tpu.memory_space<hbm>>
      %dma_wait3A_76 = tpu.memref_slice %arg3[%select_n3A, %mul3A_33] : memref<4x2048xf32, #tpu.memory_space<hbm>> -> memref<1x256xf32, #tpu.memory_space<hbm>>
      %dma_wait3A_77 = tpu.memref_squeeze %dma_wait3A_76 : memref<1x256xf32, #tpu.memory_space<hbm>> -> memref<256xf32, #tpu.memory_space<hbm>>
      tpu.wait_dma2 semaphore(%run_scoped3A_71 : memref<!tpu.dma_semaphore, #tpu.memory_space<semaphore_mem>>) src(%dma_wait3A_77 : memref<256xf32, #tpu.memory_space<hbm>>) dst(%arg16 : memref<256xf32, #tpu.memory_space<vmem>>)
      tpu.yield
    }) : () -> ()
    "tpu.region"() ({
      %run_scoped3A_71 = tpu.sem_alloc : memref<!tpu.dma_semaphore, #tpu.memory_space<semaphore_mem>>
      %dma_start3A = tpu.memref_slice %arg4[%select_n3A, %mul3A_33] : memref<4x2048xf32, #tpu.memory_space<hbm>> -> memref<1x256xf32, #tpu.memory_space<hbm>>
      %dma_start3A_72 = tpu.memref_squeeze %dma_start3A : memref<1x256xf32, #tpu.memory_space<hbm>> -> memref<256xf32, #tpu.memory_space<hbm>>
      %dma_start3A_73 = tpu.memref_slice %arg4[%select_n3A, %mul3A_33] : memref<4x2048xf32, #tpu.memory_space<hbm>> -> memref<1x256xf32, #tpu.memory_space<hbm>>
      %dma_start3A_74 = tpu.memref_squeeze %dma_start3A_73 : memref<1x256xf32, #tpu.memory_space<hbm>> -> memref<256xf32, #tpu.memory_space<hbm>>
      tpu.enqueue_dma source(%dma_start3A_74 : memref<256xf32, #tpu.memory_space<hbm>>) target(%arg17 : memref<256xf32, #tpu.memory_space<vmem>>) target_semaphore(%run_scoped3A_71 : memref<!tpu.dma_semaphore, #tpu.memory_space<semaphore_mem>>)
      %dma_wait3A = tpu.memref_slice %arg4[%select_n3A, %mul3A_33] : memref<4x2048xf32, #tpu.memory_space<hbm>> -> memref<1x256xf32, #tpu.memory_space<hbm>>
      %dma_wait3A_75 = tpu.memref_squeeze %dma_wait3A : memref<1x256xf32, #tpu.memory_space<hbm>> -> memref<256xf32, #tpu.memory_space<hbm>>
      %dma_wait3A_76 = tpu.memref_slice %arg4[%select_n3A, %mul3A_33] : memref<4x2048xf32, #tpu.memory_space<hbm>> -> memref<1x256xf32, #tpu.memory_space<hbm>>
      %dma_wait3A_77 = tpu.memref_squeeze %dma_wait3A_76 : memref<1x256xf32, #tpu.memory_space<hbm>> -> memref<256xf32, #tpu.memory_space<hbm>>
      tpu.wait_dma2 semaphore(%run_scoped3A_71 : memref<!tpu.dma_semaphore, #tpu.memory_space<semaphore_mem>>) src(%dma_wait3A_77 : memref<256xf32, #tpu.memory_space<hbm>>) dst(%arg17 : memref<256xf32, #tpu.memory_space<vmem>>)
      tpu.yield
    }) : () -> ()
    %iota3A = tpu.iota {dimensions = array<i32: 0>} : vector<16xi32>
    %scan3A = arith.constant 0 : i32
    %scan3A_34 = arith.constant 0 : i32
    %scan3A_35 = arith.constant 512 : i32
    %scan3A_36 = arith.addi %scan3A_34, %scan3A_35 : i32
    %scan3A_37 = arith.constant 1 : i32
    scf.for %scan3A_71 = %scan3A_34 to %scan3A_36 step %scan3A_37  : i32 {
      %mul3A_72 = arith.constant 16 : i32
      %mul3A_73 = arith.muli %scan3A_71, %mul3A_72 : i32
      %get3A_74 = arith.index_cast %mul3A_73 : i32 to index
      %get3A_75 = tpu.vector_load %arg12[%get3A_74] {strides = array<i32>} : memref<8192xf32, #tpu.memory_space<vmem>>, vector<16xf32>,
      %get3A_76 = arith.index_cast %mul3A_73 : i32 to index
      %get3A_77 = tpu.vector_load %arg13[%get3A_76] {strides = array<i32>} : memref<8192xf32, #tpu.memory_space<vmem>>, vector<16xf32>,
      %get3A_78 = arith.index_cast %mul3A_73 : i32 to index
      %get3A_79 = tpu.vector_load %arg14[%get3A_78] {strides = array<i32>} : memref<8192xf32, #tpu.memory_space<vmem>>, vector<16xf32>,
      %mul3A_80 = arith.mulf %get3A_75, %get3A_75 : vector<16xf32>
      %mul3A_81 = arith.mulf %get3A_77, %get3A_77 : vector<16xf32>
      %add3A_82 = arith.addf %mul3A_80, %mul3A_81 : vector<16xf32>
      %mul3A_83 = arith.mulf %get3A_79, %get3A_79 : vector<16xf32>
      %add3A_84 = arith.addf %add3A_82, %mul3A_83 : vector<16xf32>
      %swap3A = arith.index_cast %mul3A_73 : i32 to index
      %swap3A_85 = tpu.vector_load %arg20[%swap3A] {strides = array<i32>} : memref<8192xf32, #tpu.memory_space<vmem>>, vector<16xf32>,
      tpu.vector_store %arg20[%swap3A], %add3A_84 {strides = array<i32>} : memref<8192xf32, #tpu.memory_space<vmem>>, vector<16xf32>,
      %bitcast3A = vector.bitcast %get3A_75 : vector<16xf32> to vector<16xi32>
      %add3A_86 = arith.constant 32767 : i32
      %add3A_87 = vector.broadcast %add3A_86 : i32 to vector<16xi32>
      %add3A_88 = arith.addi %bitcast3A, %add3A_87 : vector<16xi32>
      %shift_right_logical3A = arith.constant 16 : i32
      %shift_right_logical3A_89 = vector.broadcast %shift_right_logical3A : i32 to vector<16xi32>
      %shift_right_logical3A_90 = arith.shrui %bitcast3A, %shift_right_logical3A_89 : vector<16xi32>
      %and3A_91 = arith.constant 1 : i32
      %and3A_92 = vector.broadcast %and3A_91 : i32 to vector<16xi32>
      %and3A_93 = arith.andi %shift_right_logical3A_90, %and3A_92 : vector<16xi32>
      %add3A_94 = arith.addi %add3A_88, %and3A_93 : vector<16xi32>
      %and3A_95 = arith.constant -65536 : i32
      %and3A_96 = vector.broadcast %and3A_95 : i32 to vector<16xi32>
      %and3A_97 = arith.andi %add3A_94, %and3A_96 : vector<16xi32>
      %bitcast3A_98 = vector.bitcast %and3A_97 : vector<16xi32> to vector<16xf32>
      %swap3A_99 = arith.index_cast %mul3A_73 : i32 to index
      %swap3A_100 = tpu.vector_load %arg12[%swap3A_99] {strides = array<i32>} : memref<8192xf32, #tpu.memory_space<vmem>>, vector<16xf32>,
      tpu.vector_store %arg12[%swap3A_99], %bitcast3A_98 {strides = array<i32>} : memref<8192xf32, #tpu.memory_space<vmem>>, vector<16xf32>,
      %bitcast3A_101 = vector.bitcast %get3A_77 : vector<16xf32> to vector<16xi32>
      %add3A_102 = arith.constant 32767 : i32
      %add3A_103 = vector.broadcast %add3A_102 : i32 to vector<16xi32>
      %add3A_104 = arith.addi %bitcast3A_101, %add3A_103 : vector<16xi32>
      %shift_right_logical3A_105 = arith.constant 16 : i32
      %shift_right_logical3A_106 = vector.broadcast %shift_right_logical3A_105 : i32 to vector<16xi32>
      %shift_right_logical3A_107 = arith.shrui %bitcast3A_101, %shift_right_logical3A_106 : vector<16xi32>
      %and3A_108 = arith.constant 1 : i32
      %and3A_109 = vector.broadcast %and3A_108 : i32 to vector<16xi32>
      %and3A_110 = arith.andi %shift_right_logical3A_107, %and3A_109 : vector<16xi32>
      %add3A_111 = arith.addi %add3A_104, %and3A_110 : vector<16xi32>
      %and3A_112 = arith.constant -65536 : i32
      %and3A_113 = vector.broadcast %and3A_112 : i32 to vector<16xi32>
      %and3A_114 = arith.andi %add3A_111, %and3A_113 : vector<16xi32>
      %bitcast3A_115 = vector.bitcast %and3A_114 : vector<16xi32> to vector<16xf32>
      %swap3A_116 = arith.index_cast %mul3A_73 : i32 to index
      %swap3A_117 = tpu.vector_load %arg13[%swap3A_116] {strides = array<i32>} : memref<8192xf32, #tpu.memory_space<vmem>>, vector<16xf32>,
      tpu.vector_store %arg13[%swap3A_116], %bitcast3A_115 {strides = array<i32>} : memref<8192xf32, #tpu.memory_space<vmem>>, vector<16xf32>,
      %bitcast3A_118 = vector.bitcast %get3A_79 : vector<16xf32> to vector<16xi32>
      %add3A_119 = arith.constant 32767 : i32
      %add3A_120 = vector.broadcast %add3A_119 : i32 to vector<16xi32>
      %add3A_121 = arith.addi %bitcast3A_118, %add3A_120 : vector<16xi32>
      %shift_right_logical3A_122 = arith.constant 16 : i32
      %shift_right_logical3A_123 = vector.broadcast %shift_right_logical3A_122 : i32 to vector<16xi32>
      %shift_right_logical3A_124 = arith.shrui %bitcast3A_118, %shift_right_logical3A_123 : vector<16xi32>
      %and3A_125 = arith.constant 1 : i32
      %and3A_126 = vector.broadcast %and3A_125 : i32 to vector<16xi32>
      %and3A_127 = arith.andi %shift_right_logical3A_124, %and3A_126 : vector<16xi32>
      %add3A_128 = arith.addi %add3A_121, %and3A_127 : vector<16xi32>
      %and3A_129 = arith.constant -65536 : i32
      %and3A_130 = vector.broadcast %and3A_129 : i32 to vector<16xi32>
      %and3A_131 = arith.andi %add3A_128, %and3A_130 : vector<16xi32>
      %bitcast3A_132 = vector.bitcast %and3A_131 : vector<16xi32> to vector<16xf32>
      %swap3A_133 = arith.index_cast %mul3A_73 : i32 to index
      %swap3A_134 = tpu.vector_load %arg14[%swap3A_133] {strides = array<i32>} : memref<8192xf32, #tpu.memory_space<vmem>>, vector<16xf32>,
      tpu.vector_store %arg14[%swap3A_133], %bitcast3A_132 {strides = array<i32>} : memref<8192xf32, #tpu.memory_space<vmem>>, vector<16xf32>,
    }
    %scan3A_38 = arith.constant 512 : i32
    %scan3A_39 = arith.constant 0 : i32
    %scan3A_40 = arith.constant 0 : i32
    %scan3A_41 = arith.constant 256 : i32
    %scan3A_42 = arith.addi %scan3A_40, %scan3A_41 : i32
    %scan3A_43 = arith.constant 1 : i32
    scf.for %scan3A_71 = %scan3A_40 to %scan3A_42 step %scan3A_43  : i32 {
      %broadcast_in_dim3A = vector.broadcast %scan3A_71 : i32 to vector<16xi32>
      %gather3A = tpu.vector_load_idx %arg15[%broadcast_in_dim3A] : memref<256xf32, #tpu.memory_space<vmem>>[vector<16xi32>], vector<16xf32>,
      %gather3A_72 = tpu.vector_load_idx %arg16[%broadcast_in_dim3A] : memref<256xf32, #tpu.memory_space<vmem>>[vector<16xi32>], vector<16xf32>,
      %gather3A_73 = tpu.vector_load_idx %arg17[%broadcast_in_dim3A] : memref<256xf32, #tpu.memory_space<vmem>>[vector<16xi32>], vector<16xf32>,
      %mul3A_74 = arith.mulf %gather3A, %gather3A : vector<16xf32>
      %mul3A_75 = arith.mulf %gather3A_72, %gather3A_72 : vector<16xf32>
      %add3A_76 = arith.addf %mul3A_74, %mul3A_75 : vector<16xf32>
      %mul3A_77 = arith.mulf %gather3A_73, %gather3A_73 : vector<16xf32>
      %add3A_78 = arith.addf %add3A_76, %mul3A_77 : vector<16xf32>
      %bitcast3A = vector.bitcast %gather3A : vector<16xf32> to vector<16xi32>
      %add3A_79 = arith.constant 32767 : i32
      %add3A_80 = vector.broadcast %add3A_79 : i32 to vector<16xi32>
      %add3A_81 = arith.addi %bitcast3A, %add3A_80 : vector<16xi32>
      %shift_right_logical3A = arith.constant 16 : i32
      %shift_right_logical3A_82 = vector.broadcast %shift_right_logical3A : i32 to vector<16xi32>
      %shift_right_logical3A_83 = arith.shrui %bitcast3A, %shift_right_logical3A_82 : vector<16xi32>
      %and3A_84 = arith.constant 1 : i32
      %and3A_85 = vector.broadcast %and3A_84 : i32 to vector<16xi32>
      %and3A_86 = arith.andi %shift_right_logical3A_83, %and3A_85 : vector<16xi32>
      %add3A_87 = arith.addi %add3A_81, %and3A_86 : vector<16xi32>
      %and3A_88 = arith.constant -65536 : i32
      %and3A_89 = vector.broadcast %and3A_88 : i32 to vector<16xi32>
      %and3A_90 = arith.andi %add3A_87, %and3A_89 : vector<16xi32>
      %bitcast3A_91 = vector.bitcast %and3A_90 : vector<16xi32> to vector<16xf32>
      %bitcast3A_92 = vector.bitcast %gather3A_72 : vector<16xf32> to vector<16xi32>
      %add3A_93 = arith.constant 32767 : i32
      %add3A_94 = vector.broadcast %add3A_93 : i32 to vector<16xi32>
      %add3A_95 = arith.addi %bitcast3A_92, %add3A_94 : vector<16xi32>
      %shift_right_logical3A_96 = arith.constant 16 : i32
      %shift_right_logical3A_97 = vector.broadcast %shift_right_logical3A_96 : i32 to vector<16xi32>
      %shift_right_logical3A_98 = arith.shrui %bitcast3A_92, %shift_right_logical3A_97 : vector<16xi32>
      %and3A_99 = arith.constant 1 : i32
      %and3A_100 = vector.broadcast %and3A_99 : i32 to vector<16xi32>
      %and3A_101 = arith.andi %shift_right_logical3A_98, %and3A_100 : vector<16xi32>
      %add3A_102 = arith.addi %add3A_95, %and3A_101 : vector<16xi32>
      %and3A_103 = arith.constant -65536 : i32
      %and3A_104 = vector.broadcast %and3A_103 : i32 to vector<16xi32>
      %and3A_105 = arith.andi %add3A_102, %and3A_104 : vector<16xi32>
      %bitcast3A_106 = vector.bitcast %and3A_105 : vector<16xi32> to vector<16xf32>
      %bitcast3A_107 = vector.bitcast %gather3A_73 : vector<16xf32> to vector<16xi32>
      %add3A_108 = arith.constant 32767 : i32
      %add3A_109 = vector.broadcast %add3A_108 : i32 to vector<16xi32>
      %add3A_110 = arith.addi %bitcast3A_107, %add3A_109 : vector<16xi32>
      %shift_right_logical3A_111 = arith.constant 16 : i32
      %shift_right_logical3A_112 = vector.broadcast %shift_right_logical3A_111 : i32 to vector<16xi32>
      %shift_right_logical3A_113 = arith.shrui %bitcast3A_107, %shift_right_logical3A_112 : vector<16xi32>
      %and3A_114 = arith.constant 1 : i32
      %and3A_115 = vector.broadcast %and3A_114 : i32 to vector<16xi32>
      %and3A_116 = arith.andi %shift_right_logical3A_113, %and3A_115 : vector<16xi32>
      %add3A_117 = arith.addi %add3A_110, %and3A_116 : vector<16xi32>
      %and3A_118 = arith.constant -65536 : i32
      %and3A_119 = vector.broadcast %and3A_118 : i32 to vector<16xi32>
      %and3A_120 = arith.andi %add3A_117, %and3A_119 : vector<16xi32>
      %bitcast3A_121 = vector.bitcast %and3A_120 : vector<16xi32> to vector<16xf32>
      %broadcast_in_dim3A_122 = arith.constant 0 : i32
      %broadcast_in_dim3A_123 = vector.broadcast %broadcast_in_dim3A_122 : i32 to vector<16xi32>
      %mul3A_124 = arith.constant 32 : i32
      %mul3A_125 = arith.muli %scan3A_71, %mul3A_124 : i32
      %swap3A = arith.index_cast %mul3A_125 : i32 to index
      %swap3A_126 = tpu.vector_load %arg18[%swap3A] {strides = array<i32>} : memref<8192xi32, #tpu.memory_space<vmem>>, vector<16xi32>,
      tpu.vector_store %arg18[%swap3A], %broadcast_in_dim3A_123 {strides = array<i32>} : memref<8192xi32, #tpu.memory_space<vmem>>, vector<16xi32>,
      %mul3A_127 = arith.constant 32 : i32
      %mul3A_128 = arith.muli %scan3A_71, %mul3A_127 : i32
      %add3A_129 = arith.constant 16 : i32
      %add3A_130 = arith.addi %mul3A_128, %add3A_129 : i32
      %swap3A_131 = arith.index_cast %add3A_130 : i32 to index
      %swap3A_132 = tpu.vector_load %arg18[%swap3A_131] {strides = array<i32>} : memref<8192xi32, #tpu.memory_space<vmem>>, vector<16xi32>,
      tpu.vector_store %arg18[%swap3A_131], %broadcast_in_dim3A_123 {strides = array<i32>} : memref<8192xi32, #tpu.memory_space<vmem>>, vector<16xi32>,
      %mul3A_133 = arith.constant 32 : i32
      %mul3A_134 = arith.muli %scan3A_71, %mul3A_133 : i32
      %broadcast_in_dim3A_135 = vector.broadcast %mul3A_134 : i32 to vector<16xi32>
      %broadcast_in_dim3A_136 = arith.constant 0 : i32
      %broadcast_in_dim3A_137 = vector.broadcast %broadcast_in_dim3A_136 : i32 to vector<16xi32>
      %scan3A_138 = arith.constant 0 : i32
      %scan3A_139 = arith.constant 128 : i32
      %scan3A_140 = arith.addi %scan3A_138, %scan3A_139 : i32
      %scan3A_141 = arith.constant 1 : i32
      %scan3A_142 = scf.for %scan3A_185 = %scan3A_138 to %scan3A_140 step %scan3A_141 iter_args(%scan3A_186 = %broadcast_in_dim3A_137) -> (vector<16xi32>)  : i32 {
        %mul3A_187 = arith.constant 4 : i32
        %mul3A_188 = arith.muli %scan3A_185, %mul3A_187 : i32
        %add3A_189 = arith.constant 0 : i32
        %add3A_190 = arith.addi %mul3A_188, %add3A_189 : i32
        %mul3A_191 = arith.constant 16 : i32
        %mul3A_192 = arith.muli %add3A_190, %mul3A_191 : i32
        %get3A_193 = arith.index_cast %mul3A_192 : i32 to index
        %get3A_194 = tpu.vector_load %arg12[%get3A_193] {strides = array<i32>} : memref<8192xf32, #tpu.memory_space<vmem>>, vector<16xf32>,
        %get3A_195 = arith.index_cast %mul3A_192 : i32 to index
        %get3A_196 = tpu.vector_load %arg13[%get3A_195] {strides = array<i32>} : memref<8192xf32, #tpu.memory_space<vmem>>, vector<16xf32>,
        %get3A_197 = arith.index_cast %mul3A_192 : i32 to index
        %get3A_198 = tpu.vector_load %arg14[%get3A_197] {strides = array<i32>} : memref<8192xf32, #tpu.memory_space<vmem>>, vector<16xf32>,
        %get3A_199 = arith.index_cast %mul3A_192 : i32 to index
        %get3A_200 = tpu.vector_load %arg20[%get3A_199] {strides = array<i32>} : memref<8192xf32, #tpu.memory_space<vmem>>, vector<16xf32>,
        %mul3A_201 = arith.mulf %bitcast3A_91, %get3A_194 : vector<16xf32>
        %mul3A_202 = arith.mulf %bitcast3A_106, %get3A_196 : vector<16xf32>
        %add3A_203 = arith.addf %mul3A_201, %mul3A_202 : vector<16xf32>
        %mul3A_204 = arith.mulf %bitcast3A_121, %get3A_198 : vector<16xf32>
        %add3A_205 = arith.addf %add3A_203, %mul3A_204 : vector<16xf32>
        %add3A_206 = arith.addf %add3A_78, %get3A_200 : vector<16xf32>
        %mul3A_207 = arith.constant 2.000000e+00 : f32
        %mul3A_208 = vector.broadcast %mul3A_207 : f32 to vector<16xf32>
        %mul3A_209 = arith.mulf %mul3A_208, %add3A_205 : vector<16xf32>
        %sub3A_210 = arith.subf %add3A_206, %mul3A_209 : vector<16xf32>
        %lt3A_211 = vector.broadcast %squeeze3A : f32 to vector<16xf32>
        %lt3A_212 = arith.cmpf olt, %sub3A_210, %lt3A_211 : vector<16xf32>
        %jit3A_213 = arith.constant 1 : i32
        %jit3A_214 = arith.constant 0 : i32
        %broadcast_in_dim3A_215 = vector.broadcast %jit3A_213 : i32 to vector<16xi32>
        %broadcast_in_dim3A_216 = vector.broadcast %jit3A_214 : i32 to vector<16xi32>
        %select_n3A_217 = arith.select %lt3A_212, %broadcast_in_dim3A_215, %broadcast_in_dim3A_216 : vector<16xi1>, vector<16xi32>
        %broadcast_in_dim3A_218 = arith.constant true
        %broadcast_in_dim3A_219 = vector.broadcast %broadcast_in_dim3A_218 : i1 to vector<16xi1>
        %masked_cumsum3A = tpu.scan <sum>, %select_n3A_217 masked %broadcast_in_dim3A_219 : vector<16xi32>, vector<16xi1> -> vector<16xi32>
        %sub3A_220 = arith.subi %masked_cumsum3A, %select_n3A_217 : vector<16xi32>
        %add3A_221 = arith.addi %scan3A_186, %sub3A_220 : vector<16xi32>
        %lt3A_222 = arith.constant 32 : i32
        %lt3A_223 = vector.broadcast %lt3A_222 : i32 to vector<16xi32>
        %lt3A_224 = arith.cmpi slt, %add3A_221, %lt3A_223 : vector<16xi32>
        %and3A_225 = arith.andi %lt3A_212, %lt3A_224 : vector<16xi1>
        %add3A_226 = arith.addi %broadcast_in_dim3A_135, %add3A_221 : vector<16xi32>
        %broadcast_in_dim3A_227 = vector.broadcast %mul3A_192 : i32 to vector<16xi32>
        %add3A_228 = arith.addi %broadcast_in_dim3A_227, %iota3A : vector<16xi32>
        tpu.vector_store_idx %arg18[%add3A_226], %add3A_228 masked %and3A_225 : memref<8192xi32, #tpu.memory_space<vmem>>[vector<16xi32>], vector<16xi32>, vector<16xi1>
        %all_reduce_population_count3A = tpu.all_reduce %lt3A_212 {dim = 0 : i64, kind = #tpu.reduction_kind<sum>} : vector<16xi1> -> vector<16xi32>
        %add3A_229 = arith.addi %scan3A_186, %all_reduce_population_count3A : vector<16xi32>
        %mul3A_230 = arith.constant 4 : i32
        %mul3A_231 = arith.muli %scan3A_185, %mul3A_230 : i32
        %add3A_232 = arith.constant 1 : i32
        %add3A_233 = arith.addi %mul3A_231, %add3A_232 : i32
        %mul3A_234 = arith.constant 16 : i32
        %mul3A_235 = arith.muli %add3A_233, %mul3A_234 : i32
        %get3A_236 = arith.index_cast %mul3A_235 : i32 to index
        %get3A_237 = tpu.vector_load %arg12[%get3A_236] {strides = array<i32>} : memref<8192xf32, #tpu.memory_space<vmem>>, vector<16xf32>,
        %get3A_238 = arith.index_cast %mul3A_235 : i32 to index
        %get3A_239 = tpu.vector_load %arg13[%get3A_238] {strides = array<i32>} : memref<8192xf32, #tpu.memory_space<vmem>>, vector<16xf32>,
        %get3A_240 = arith.index_cast %mul3A_235 : i32 to index
        %get3A_241 = tpu.vector_load %arg14[%get3A_240] {strides = array<i32>} : memref<8192xf32, #tpu.memory_space<vmem>>, vector<16xf32>,
        %get3A_242 = arith.index_cast %mul3A_235 : i32 to index
        %get3A_243 = tpu.vector_load %arg20[%get3A_242] {strides = array<i32>} : memref<8192xf32, #tpu.memory_space<vmem>>, vector<16xf32>,
        %mul3A_244 = arith.mulf %bitcast3A_91, %get3A_237 : vector<16xf32>
        %mul3A_245 = arith.mulf %bitcast3A_106, %get3A_239 : vector<16xf32>
        %add3A_246 = arith.addf %mul3A_244, %mul3A_245 : vector<16xf32>
        %mul3A_247 = arith.mulf %bitcast3A_121, %get3A_241 : vector<16xf32>
        %add3A_248 = arith.addf %add3A_246, %mul3A_247 : vector<16xf32>
        %add3A_249 = arith.addf %add3A_78, %get3A_243 : vector<16xf32>
        %mul3A_250 = arith.constant 2.000000e+00 : f32
        %mul3A_251 = vector.broadcast %mul3A_250 : f32 to vector<16xf32>
        %mul3A_252 = arith.mulf %mul3A_251, %add3A_248 : vector<16xf32>
        %sub3A_253 = arith.subf %add3A_249, %mul3A_252 : vector<16xf32>
        %lt3A_254 = vector.broadcast %squeeze3A : f32 to vector<16xf32>
        %lt3A_255 = arith.cmpf olt, %sub3A_253, %lt3A_254 : vector<16xf32>
        %jit3A_256 = arith.constant 1 : i32
        %jit3A_257 = arith.constant 0 : i32
        %broadcast_in_dim3A_258 = vector.broadcast %jit3A_256 : i32 to vector<16xi32>
        %broadcast_in_dim3A_259 = vector.broadcast %jit3A_257 : i32 to vector<16xi32>
        %select_n3A_260 = arith.select %lt3A_255, %broadcast_in_dim3A_258, %broadcast_in_dim3A_259 : vector<16xi1>, vector<16xi32>
        %broadcast_in_dim3A_261 = arith.constant true
        %broadcast_in_dim3A_262 = vector.broadcast %broadcast_in_dim3A_261 : i1 to vector<16xi1>
        %masked_cumsum3A_263 = tpu.scan <sum>, %select_n3A_260 masked %broadcast_in_dim3A_262 : vector<16xi32>, vector<16xi1> -> vector<16xi32>
        %sub3A_264 = arith.subi %masked_cumsum3A_263, %select_n3A_260 : vector<16xi32>
        %add3A_265 = arith.addi %add3A_229, %sub3A_264 : vector<16xi32>
        %lt3A_266 = arith.constant 32 : i32
        %lt3A_267 = vector.broadcast %lt3A_266 : i32 to vector<16xi32>
        %lt3A_268 = arith.cmpi slt, %add3A_265, %lt3A_267 : vector<16xi32>
        %and3A_269 = arith.andi %lt3A_255, %lt3A_268 : vector<16xi1>
        %add3A_270 = arith.addi %broadcast_in_dim3A_135, %add3A_265 : vector<16xi32>
        %broadcast_in_dim3A_271 = vector.broadcast %mul3A_235 : i32 to vector<16xi32>
        %add3A_272 = arith.addi %broadcast_in_dim3A_271, %iota3A : vector<16xi32>
        tpu.vector_store_idx %arg18[%add3A_270], %add3A_272 masked %and3A_269 : memref<8192xi32, #tpu.memory_space<vmem>>[vector<16xi32>], vector<16xi32>, vector<16xi1>
        %all_reduce_population_count3A_273 = tpu.all_reduce %lt3A_255 {dim = 0 : i64, kind = #tpu.reduction_kind<sum>} : vector<16xi1> -> vector<16xi32>
        %add3A_274 = arith.addi %add3A_229, %all_reduce_population_count3A_273 : vector<16xi32>
        %mul3A_275 = arith.constant 4 : i32
        %mul3A_276 = arith.muli %scan3A_185, %mul3A_275 : i32
        %add3A_277 = arith.constant 2 : i32
        %add3A_278 = arith.addi %mul3A_276, %add3A_277 : i32
        %mul3A_279 = arith.constant 16 : i32
        %mul3A_280 = arith.muli %add3A_278, %mul3A_279 : i32
        %get3A_281 = arith.index_cast %mul3A_280 : i32 to index
        %get3A_282 = tpu.vector_load %arg12[%get3A_281] {strides = array<i32>} : memref<8192xf32, #tpu.memory_space<vmem>>, vector<16xf32>,
        %get3A_283 = arith.index_cast %mul3A_280 : i32 to index
        %get3A_284 = tpu.vector_load %arg13[%get3A_283] {strides = array<i32>} : memref<8192xf32, #tpu.memory_space<vmem>>, vector<16xf32>,
        %get3A_285 = arith.index_cast %mul3A_280 : i32 to index
        %get3A_286 = tpu.vector_load %arg14[%get3A_285] {strides = array<i32>} : memref<8192xf32, #tpu.memory_space<vmem>>, vector<16xf32>,
        %get3A_287 = arith.index_cast %mul3A_280 : i32 to index
        %get3A_288 = tpu.vector_load %arg20[%get3A_287] {strides = array<i32>} : memref<8192xf32, #tpu.memory_space<vmem>>, vector<16xf32>,
        %mul3A_289 = arith.mulf %bitcast3A_91, %get3A_282 : vector<16xf32>
        %mul3A_290 = arith.mulf %bitcast3A_106, %get3A_284 : vector<16xf32>
        %add3A_291 = arith.addf %mul3A_289, %mul3A_290 : vector<16xf32>
        %mul3A_292 = arith.mulf %bitcast3A_121, %get3A_286 : vector<16xf32>
        %add3A_293 = arith.addf %add3A_291, %mul3A_292 : vector<16xf32>
        %add3A_294 = arith.addf %add3A_78, %get3A_288 : vector<16xf32>
        %mul3A_295 = arith.constant 2.000000e+00 : f32
        %mul3A_296 = vector.broadcast %mul3A_295 : f32 to vector<16xf32>
        %mul3A_297 = arith.mulf %mul3A_296, %add3A_293 : vector<16xf32>
        %sub3A_298 = arith.subf %add3A_294, %mul3A_297 : vector<16xf32>
        %lt3A_299 = vector.broadcast %squeeze3A : f32 to vector<16xf32>
        %lt3A_300 = arith.cmpf olt, %sub3A_298, %lt3A_299 : vector<16xf32>
        %jit3A_301 = arith.constant 1 : i32
        %jit3A_302 = arith.constant 0 : i32
        %broadcast_in_dim3A_303 = vector.broadcast %jit3A_301 : i32 to vector<16xi32>
        %broadcast_in_dim3A_304 = vector.broadcast %jit3A_302 : i32 to vector<16xi32>
        %select_n3A_305 = arith.select %lt3A_300, %broadcast_in_dim3A_303, %broadcast_in_dim3A_304 : vector<16xi1>, vector<16xi32>
        %broadcast_in_dim3A_306 = arith.constant true
        %broadcast_in_dim3A_307 = vector.broadcast %broadcast_in_dim3A_306 : i1 to vector<16xi1>
        %masked_cumsum3A_308 = tpu.scan <sum>, %select_n3A_305 masked %broadcast_in_dim3A_307 : vector<16xi32>, vector<16xi1> -> vector<16xi32>
        %sub3A_309 = arith.subi %masked_cumsum3A_308, %select_n3A_305 : vector<16xi32>
        %add3A_310 = arith.addi %add3A_274, %sub3A_309 : vector<16xi32>
        %lt3A_311 = arith.constant 32 : i32
        %lt3A_312 = vector.broadcast %lt3A_311 : i32 to vector<16xi32>
        %lt3A_313 = arith.cmpi slt, %add3A_310, %lt3A_312 : vector<16xi32>
        %and3A_314 = arith.andi %lt3A_300, %lt3A_313 : vector<16xi1>
        %add3A_315 = arith.addi %broadcast_in_dim3A_135, %add3A_310 : vector<16xi32>
        %broadcast_in_dim3A_316 = vector.broadcast %mul3A_280 : i32 to vector<16xi32>
        %add3A_317 = arith.addi %broadcast_in_dim3A_316, %iota3A : vector<16xi32>
        tpu.vector_store_idx %arg18[%add3A_315], %add3A_317 masked %and3A_314 : memref<8192xi32, #tpu.memory_space<vmem>>[vector<16xi32>], vector<16xi32>, vector<16xi1>
        %all_reduce_population_count3A_318 = tpu.all_reduce %lt3A_300 {dim = 0 : i64, kind = #tpu.reduction_kind<sum>} : vector<16xi1> -> vector<16xi32>
        %add3A_319 = arith.addi %add3A_274, %all_reduce_population_count3A_318 : vector<16xi32>
        %mul3A_320 = arith.constant 4 : i32
        %mul3A_321 = arith.muli %scan3A_185, %mul3A_320 : i32
        %add3A_322 = arith.constant 3 : i32
        %add3A_323 = arith.addi %mul3A_321, %add3A_322 : i32
        %mul3A_324 = arith.constant 16 : i32
        %mul3A_325 = arith.muli %add3A_323, %mul3A_324 : i32
        %get3A_326 = arith.index_cast %mul3A_325 : i32 to index
        %get3A_327 = tpu.vector_load %arg12[%get3A_326] {strides = array<i32>} : memref<8192xf32, #tpu.memory_space<vmem>>, vector<16xf32>,
        %get3A_328 = arith.index_cast %mul3A_325 : i32 to index
        %get3A_329 = tpu.vector_load %arg13[%get3A_328] {strides = array<i32>} : memref<8192xf32, #tpu.memory_space<vmem>>, vector<16xf32>,
        %get3A_330 = arith.index_cast %mul3A_325 : i32 to index
        %get3A_331 = tpu.vector_load %arg14[%get3A_330] {strides = array<i32>} : memref<8192xf32, #tpu.memory_space<vmem>>, vector<16xf32>,
        %get3A_332 = arith.index_cast %mul3A_325 : i32 to index
        %get3A_333 = tpu.vector_load %arg20[%get3A_332] {strides = array<i32>} : memref<8192xf32, #tpu.memory_space<vmem>>, vector<16xf32>,
        %mul3A_334 = arith.mulf %bitcast3A_91, %get3A_327 : vector<16xf32>
        %mul3A_335 = arith.mulf %bitcast3A_106, %get3A_329 : vector<16xf32>
        %add3A_336 = arith.addf %mul3A_334, %mul3A_335 : vector<16xf32>
        %mul3A_337 = arith.mulf %bitcast3A_121, %get3A_331 : vector<16xf32>
        %add3A_338 = arith.addf %add3A_336, %mul3A_337 : vector<16xf32>
        %add3A_339 = arith.addf %add3A_78, %get3A_333 : vector<16xf32>
        %mul3A_340 = arith.constant 2.000000e+00 : f32
        %mul3A_341 = vector.broadcast %mul3A_340 : f32 to vector<16xf32>
        %mul3A_342 = arith.mulf %mul3A_341, %add3A_338 : vector<16xf32>
        %sub3A_343 = arith.subf %add3A_339, %mul3A_342 : vector<16xf32>
        %lt3A_344 = vector.broadcast %squeeze3A : f32 to vector<16xf32>
        %lt3A_345 = arith.cmpf olt, %sub3A_343, %lt3A_344 : vector<16xf32>
        %jit3A_346 = arith.constant 1 : i32
        %jit3A_347 = arith.constant 0 : i32
        %broadcast_in_dim3A_348 = vector.broadcast %jit3A_346 : i32 to vector<16xi32>
        %broadcast_in_dim3A_349 = vector.broadcast %jit3A_347 : i32 to vector<16xi32>
        %select_n3A_350 = arith.select %lt3A_345, %broadcast_in_dim3A_348, %broadcast_in_dim3A_349 : vector<16xi1>, vector<16xi32>
        %broadcast_in_dim3A_351 = arith.constant true
        %broadcast_in_dim3A_352 = vector.broadcast %broadcast_in_dim3A_351 : i1 to vector<16xi1>
        %masked_cumsum3A_353 = tpu.scan <sum>, %select_n3A_350 masked %broadcast_in_dim3A_352 : vector<16xi32>, vector<16xi1> -> vector<16xi32>
        %sub3A_354 = arith.subi %masked_cumsum3A_353, %select_n3A_350 : vector<16xi32>
        %add3A_355 = arith.addi %add3A_319, %sub3A_354 : vector<16xi32>
        %lt3A_356 = arith.constant 32 : i32
        %lt3A_357 = vector.broadcast %lt3A_356 : i32 to vector<16xi32>
        %lt3A_358 = arith.cmpi slt, %add3A_355, %lt3A_357 : vector<16xi32>
        %and3A_359 = arith.andi %lt3A_345, %lt3A_358 : vector<16xi1>
        %add3A_360 = arith.addi %broadcast_in_dim3A_135, %add3A_355 : vector<16xi32>
        %broadcast_in_dim3A_361 = vector.broadcast %mul3A_325 : i32 to vector<16xi32>
        %add3A_362 = arith.addi %broadcast_in_dim3A_361, %iota3A : vector<16xi32>
        tpu.vector_store_idx %arg18[%add3A_360], %add3A_362 masked %and3A_359 : memref<8192xi32, #tpu.memory_space<vmem>>[vector<16xi32>], vector<16xi32>, vector<16xi1>
        %all_reduce_population_count3A_363 = tpu.all_reduce %lt3A_345 {dim = 0 : i64, kind = #tpu.reduction_kind<sum>} : vector<16xi1> -> vector<16xi32>
        %add3A_364 = arith.addi %add3A_319, %all_reduce_population_count3A_363 : vector<16xi32>
        scf.yield %add3A_364 : vector<16xi32>
      }
      %scan3A_143 = arith.constant 128 : i32
      %lt3A_144 = arith.cmpi slt, %iota3A, %scan3A_142 : vector<16xi32>
      %add3A_145 = arith.constant 16 : i32
      %add3A_146 = vector.broadcast %add3A_145 : i32 to vector<16xi32>
      %add3A_147 = arith.addi %iota3A, %add3A_146 : vector<16xi32>
      %lt3A_148 = arith.cmpi slt, %add3A_147, %scan3A_142 : vector<16xi32>
      %mul3A_149 = arith.constant 32 : i32
      %mul3A_150 = arith.muli %scan3A_71, %mul3A_149 : i32
      %broadcast_in_dim3A_151 = vector.broadcast %mul3A_150 : i32 to vector<16xi32>
      %gather3A_152 = tpu.vector_load_idx %arg18[%broadcast_in_dim3A_151] : memref<8192xi32, #tpu.memory_space<vmem>>[vector<16xi32>], vector<16xi32>,
      %mul3A_153 = arith.constant 32 : i32
      %mul3A_154 = arith.muli %scan3A_71, %mul3A_153 : i32
      %get3A_155 = arith.index_cast %mul3A_154 : i32 to index
      %get3A_156 = tpu.vector_load %arg18[%get3A_155] {strides = array<i32>} : memref<8192xi32, #tpu.memory_space<vmem>>, vector<16xi32>,
      %mul3A_157 = arith.constant 32 : i32
      %mul3A_158 = arith.muli %scan3A_71, %mul3A_157 : i32
      %add3A_159 = arith.constant 16 : i32
      %add3A_160 = arith.addi %mul3A_158, %add3A_159 : i32
      %get3A_161 = arith.index_cast %add3A_160 : i32 to index
      %get3A_162 = tpu.vector_load %arg18[%get3A_161] {strides = array<i32>} : memref<8192xi32, #tpu.memory_space<vmem>>, vector<16xi32>,
      %select_n3A_163 = arith.select %lt3A_144, %get3A_156, %gather3A_152 : vector<16xi1>, vector<16xi32>
      %mul3A_164 = arith.constant 32 : i32
      %mul3A_165 = arith.muli %scan3A_71, %mul3A_164 : i32
      %swap3A_166 = arith.index_cast %mul3A_165 : i32 to index
      %swap3A_167 = tpu.vector_load %arg18[%swap3A_166] {strides = array<i32>} : memref<8192xi32, #tpu.memory_space<vmem>>, vector<16xi32>,
      tpu.vector_store %arg18[%swap3A_166], %select_n3A_163 {strides = array<i32>} : memref<8192xi32, #tpu.memory_space<vmem>>, vector<16xi32>,
      %select_n3A_168 = arith.select %lt3A_148, %get3A_162, %gather3A_152 : vector<16xi1>, vector<16xi32>
      %mul3A_169 = arith.constant 32 : i32
      %mul3A_170 = arith.muli %scan3A_71, %mul3A_169 : i32
      %add3A_171 = arith.constant 16 : i32
      %add3A_172 = arith.addi %mul3A_170, %add3A_171 : i32
      %swap3A_173 = arith.index_cast %add3A_172 : i32 to index
      %swap3A_174 = tpu.vector_load %arg18[%swap3A_173] {strides = array<i32>} : memref<8192xi32, #tpu.memory_space<vmem>>, vector<16xi32>,
      tpu.vector_store %arg18[%swap3A_173], %select_n3A_168 {strides = array<i32>} : memref<8192xi32, #tpu.memory_space<vmem>>, vector<16xi32>,
      %broadcast_in_dim3A_175 = arith.constant 1 : i32
      %broadcast_in_dim3A_176 = vector.broadcast %broadcast_in_dim3A_175 : i32 to vector<16xi32>
      %select_n3A_177 = arith.select %lt3A_144, %broadcast_in_dim3A_176, %broadcast_in_dim3A_123 : vector<16xi1>, vector<16xi32>
      %swap3A_178 = arith.index_cast %scan3A_71 : i32 to index
      %swap3A_179 = arith.constant 0 : index
      %swap3A_180 = tpu.vector_load %arg19[%swap3A_178, %swap3A_179] {strides = array<i32>} : memref<256x32xi32, #tpu.memory_space<vmem>>, vector<16xi32>,
      tpu.vector_store %arg19[%swap3A_178, %swap3A_179], %select_n3A_177 {strides = array<i32>} : memref<256x32xi32, #tpu.memory_space<vmem>>, vector<16xi32>,
      %select_n3A_181 = arith.select %lt3A_148, %broadcast_in_dim3A_176, %broadcast_in_dim3A_123 : vector<16xi1>, vector<16xi32>
      %swap3A_182 = arith.index_cast %scan3A_71 : i32 to index
      %swap3A_183 = arith.constant 16 : index
      %swap3A_184 = tpu.vector_load %arg19[%swap3A_182, %swap3A_183] {strides = array<i32>} : memref<256x32xi32, #tpu.memory_space<vmem>>, vector<16xi32>,
      tpu.vector_store %arg19[%swap3A_182, %swap3A_183], %select_n3A_181 {strides = array<i32>} : memref<256x32xi32, #tpu.memory_space<vmem>>, vector<16xi32>,
    }
    %scan3A_44 = arith.constant 256 : i32
    "tpu.region"() ({
      %run_scoped3A_71 = tpu.sem_alloc : memref<!tpu.dma_semaphore, #tpu.memory_space<semaphore_mem>>
      %dma_start3A = arith.constant 0 : i32
      %dma_start3A_72 = tpu.memref_slice %arg11[%select_n3A, %mul3A_33, %dma_start3A] : memref<4x2048x32xi32, #tpu.memory_space<hbm>> -> memref<1x256x32xi32, #tpu.memory_space<hbm>>
      %dma_start3A_73 = tpu.memref_squeeze %dma_start3A_72 : memref<1x256x32xi32, #tpu.memory_space<hbm>> -> memref<256x32xi32, #tpu.memory_space<hbm>>
      %dma_start3A_74 = arith.constant 0 : i32
      %dma_start3A_75 = tpu.memref_slice %arg11[%select_n3A, %mul3A_33, %dma_start3A_74] : memref<4x2048x32xi32, #tpu.memory_space<hbm>> -> memref<1x256x32xi32, #tpu.memory_space<hbm>>
      %dma_start3A_76 = tpu.memref_squeeze %dma_start3A_75 : memref<1x256x32xi32, #tpu.memory_space<hbm>> -> memref<256x32xi32, #tpu.memory_space<hbm>>
      tpu.enqueue_dma source(%arg19 : memref<256x32xi32, #tpu.memory_space<vmem>>) target(%dma_start3A_76 : memref<256x32xi32, #tpu.memory_space<hbm>>) target_semaphore(%run_scoped3A_71 : memref<!tpu.dma_semaphore, #tpu.memory_space<semaphore_mem>>)
      %dma_wait3A = arith.constant 0 : i32
      %dma_wait3A_77 = tpu.memref_slice %arg11[%select_n3A, %mul3A_33, %dma_wait3A] : memref<4x2048x32xi32, #tpu.memory_space<hbm>> -> memref<1x256x32xi32, #tpu.memory_space<hbm>>
      %dma_wait3A_78 = tpu.memref_squeeze %dma_wait3A_77 : memref<1x256x32xi32, #tpu.memory_space<hbm>> -> memref<256x32xi32, #tpu.memory_space<hbm>>
      %dma_wait3A_79 = arith.constant 0 : i32
      %dma_wait3A_80 = tpu.memref_slice %arg11[%select_n3A, %mul3A_33, %dma_wait3A_79] : memref<4x2048x32xi32, #tpu.memory_space<hbm>> -> memref<1x256x32xi32, #tpu.memory_space<hbm>>
      %dma_wait3A_81 = tpu.memref_squeeze %dma_wait3A_80 : memref<1x256x32xi32, #tpu.memory_space<hbm>> -> memref<256x32xi32, #tpu.memory_space<hbm>>
      tpu.wait_dma2 semaphore(%run_scoped3A_71 : memref<!tpu.dma_semaphore, #tpu.memory_space<semaphore_mem>>) src(%arg19 : memref<256x32xi32, #tpu.memory_space<vmem>>) dst(%dma_wait3A_81 : memref<256x32xi32, #tpu.memory_space<hbm>>)
      tpu.yield
    }) : () -> ()
    "tpu.region"() ({
      %run_scoped3A_71 = tpu.sem_alloc : memref<!tpu.dma_semaphore, #tpu.memory_space<semaphore_mem>>
      %dma_start3A = arith.constant 0 : i32
      %dma_start3A_72 = tpu.memref_slice %arg5[%select_n3A, %dma_start3A] : memref<4x8192xf32, #tpu.memory_space<hbm>> -> memref<1x8192xf32, #tpu.memory_space<hbm>>
      %dma_start3A_73 = tpu.memref_squeeze %dma_start3A_72 : memref<1x8192xf32, #tpu.memory_space<hbm>> -> memref<8192xf32, #tpu.memory_space<hbm>>
      %dma_start3A_74 = arith.constant 0 : i32
      %dma_start3A_75 = tpu.memref_slice %arg5[%select_n3A, %dma_start3A_74] : memref<4x8192xf32, #tpu.memory_space<hbm>> -> memref<1x8192xf32, #tpu.memory_space<hbm>>
      %dma_start3A_76 = tpu.memref_squeeze %dma_start3A_75 : memref<1x8192xf32, #tpu.memory_space<hbm>> -> memref<8192xf32, #tpu.memory_space<hbm>>
      tpu.enqueue_dma source(%dma_start3A_76 : memref<8192xf32, #tpu.memory_space<hbm>>) target(%arg20 : memref<8192xf32, #tpu.memory_space<vmem>>) target_semaphore(%run_scoped3A_71 : memref<!tpu.dma_semaphore, #tpu.memory_space<semaphore_mem>>)
      %dma_wait3A = arith.constant 0 : i32
      %dma_wait3A_77 = tpu.memref_slice %arg5[%select_n3A, %dma_wait3A] : memref<4x8192xf32, #tpu.memory_space<hbm>> -> memref<1x8192xf32, #tpu.memory_space<hbm>>
      %dma_wait3A_78 = tpu.memref_squeeze %dma_wait3A_77 : memref<1x8192xf32, #tpu.memory_space<hbm>> -> memref<8192xf32, #tpu.memory_space<hbm>>
      %dma_wait3A_79 = arith.constant 0 : i32
      %dma_wait3A_80 = tpu.memref_slice %arg5[%select_n3A, %dma_wait3A_79] : memref<4x8192xf32, #tpu.memory_space<hbm>> -> memref<1x8192xf32, #tpu.memory_space<hbm>>
      %dma_wait3A_81 = tpu.memref_squeeze %dma_wait3A_80 : memref<1x8192xf32, #tpu.memory_space<hbm>> -> memref<8192xf32, #tpu.memory_space<hbm>>
      tpu.wait_dma2 semaphore(%run_scoped3A_71 : memref<!tpu.dma_semaphore, #tpu.memory_space<semaphore_mem>>) src(%dma_wait3A_81 : memref<8192xf32, #tpu.memory_space<hbm>>) dst(%arg20 : memref<8192xf32, #tpu.memory_space<vmem>>)
      tpu.yield
    }) : () -> ()
    %scan3A_45 = arith.constant 0 : i32
    %scan3A_46 = arith.constant 0 : i32
    %scan3A_47 = arith.constant 256 : i32
    %scan3A_48 = arith.addi %scan3A_46, %scan3A_47 : i32
    %scan3A_49 = arith.constant 1 : i32
    scf.for %scan3A_71 = %scan3A_46 to %scan3A_48 step %scan3A_49  : i32 {
      %mul3A_72 = arith.constant 32 : i32
      %mul3A_73 = arith.muli %scan3A_71, %mul3A_72 : i32
      %get3A_74 = arith.index_cast %mul3A_73 : i32 to index
      %get3A_75 = tpu.vector_load %arg18[%get3A_74] {strides = array<i32>} : memref<8192xi32, #tpu.memory_space<vmem>>, vector<16xi32>,
      %mul3A_76 = arith.constant 32 : i32
      %mul3A_77 = arith.muli %scan3A_71, %mul3A_76 : i32
      %add3A_78 = arith.constant 16 : i32
      %add3A_79 = arith.addi %mul3A_77, %add3A_78 : i32
      %get3A_80 = arith.index_cast %add3A_79 : i32 to index
      %get3A_81 = tpu.vector_load %arg18[%get3A_80] {strides = array<i32>} : memref<8192xi32, #tpu.memory_space<vmem>>, vector<16xi32>,
      %broadcast_in_dim3A = vector.broadcast %scan3A_71 : i32 to vector<16xi32>
      %gather3A = tpu.vector_load_idx %arg15[%broadcast_in_dim3A] : memref<256xf32, #tpu.memory_space<vmem>>[vector<16xi32>], vector<16xf32>,
      %gather3A_82 = tpu.vector_load_idx %arg20[%get3A_75] : memref<8192xf32, #tpu.memory_space<vmem>>[vector<16xi32>], vector<16xf32>,
      %sub3A_83 = arith.subf %gather3A_82, %gather3A : vector<16xf32>
      %swap3A = arith.index_cast %scan3A_71 : i32 to index
      %swap3A_84 = arith.constant 0 : index
      %swap3A_85 = tpu.vector_load %arg21[%swap3A, %swap3A_84] {strides = array<i32>} : memref<256x32xf32, #tpu.memory_space<vmem>>, vector<16xf32>,
      tpu.vector_store %arg21[%swap3A, %swap3A_84], %sub3A_83 {strides = array<i32>} : memref<256x32xf32, #tpu.memory_space<vmem>>, vector<16xf32>,
      %gather3A_86 = tpu.vector_load_idx %arg20[%get3A_81] : memref<8192xf32, #tpu.memory_space<vmem>>[vector<16xi32>], vector<16xf32>,
      %sub3A_87 = arith.subf %gather3A_86, %gather3A : vector<16xf32>
      %swap3A_88 = arith.index_cast %scan3A_71 : i32 to index
      %swap3A_89 = arith.constant 16 : index
      %swap3A_90 = tpu.vector_load %arg21[%swap3A_88, %swap3A_89] {strides = array<i32>} : memref<256x32xf32, #tpu.memory_space<vmem>>, vector<16xf32>,
      tpu.vector_store %arg21[%swap3A_88, %swap3A_89], %sub3A_87 {strides = array<i32>} : memref<256x32xf32, #tpu.memory_space<vmem>>, vector<16xf32>,
    }
    %scan3A_50 = arith.constant 256 : i32
    %run_scoped3A = arith.constant 0 : i32
    "tpu.region"() ({
      %run_scoped3A_71 = tpu.sem_alloc : memref<!tpu.dma_semaphore, #tpu.memory_space<semaphore_mem>>
      %dma_start3A = arith.constant 0 : i32
      %dma_start3A_72 = tpu.memref_slice %arg10[%select_n3A, %run_scoped3A, %mul3A_33, %dma_start3A] : memref<4x67x2048x32xf32, #tpu.memory_space<hbm>> -> memref<1x1x256x32xf32, #tpu.memory_space<hbm>>
      %dma_start3A_73 = tpu.memref_squeeze %dma_start3A_72 : memref<1x1x256x32xf32, #tpu.memory_space<hbm>> -> memref<256x32xf32, #tpu.memory_space<hbm>>
      %dma_start3A_74 = arith.constant 0 : i32
      %dma_start3A_75 = tpu.memref_slice %arg10[%select_n3A, %run_scoped3A, %mul3A_33, %dma_start3A_74] : memref<4x67x2048x32xf32, #tpu.memory_space<hbm>> -> memref<1x1x256x32xf32, #tpu.memory_space<hbm>>
      %dma_start3A_76 = tpu.memref_squeeze %dma_start3A_75 : memref<1x1x256x32xf32, #tpu.memory_space<hbm>> -> memref<256x32xf32, #tpu.memory_space<hbm>>
      tpu.enqueue_dma source(%arg21 : memref<256x32xf32, #tpu.memory_space<vmem>>) target(%dma_start3A_76 : memref<256x32xf32, #tpu.memory_space<hbm>>) target_semaphore(%run_scoped3A_71 : memref<!tpu.dma_semaphore, #tpu.memory_space<semaphore_mem>>)
      %dma_wait3A = arith.constant 0 : i32
      %dma_wait3A_77 = tpu.memref_slice %arg10[%select_n3A, %run_scoped3A, %mul3A_33, %dma_wait3A] : memref<4x67x2048x32xf32, #tpu.memory_space<hbm>> -> memref<1x1x256x32xf32, #tpu.memory_space<hbm>>
      %dma_wait3A_78 = tpu.memref_squeeze %dma_wait3A_77 : memref<1x1x256x32xf32, #tpu.memory_space<hbm>> -> memref<256x32xf32, #tpu.memory_space<hbm>>
      %dma_wait3A_79 = arith.constant 0 : i32
      %dma_wait3A_80 = tpu.memref_slice %arg10[%select_n3A, %run_scoped3A, %mul3A_33, %dma_wait3A_79] : memref<4x67x2048x32xf32, #tpu.memory_space<hbm>> -> memref<1x1x256x32xf32, #tpu.memory_space<hbm>>
      %dma_wait3A_81 = tpu.memref_squeeze %dma_wait3A_80 : memref<1x1x256x32xf32, #tpu.memory_space<hbm>> -> memref<256x32xf32, #tpu.memory_space<hbm>>
      tpu.wait_dma2 semaphore(%run_scoped3A_71 : memref<!tpu.dma_semaphore, #tpu.memory_space<semaphore_mem>>) src(%arg21 : memref<256x32xf32, #tpu.memory_space<vmem>>) dst(%dma_wait3A_81 : memref<256x32xf32, #tpu.memory_space<hbm>>)
      tpu.yield
    }) : () -> ()
    "tpu.region"() ({
      %run_scoped3A_71 = tpu.sem_alloc : memref<!tpu.dma_semaphore, #tpu.memory_space<semaphore_mem>>
      %dma_start3A = arith.constant 0 : i32
      %dma_start3A_72 = tpu.memref_slice %arg6[%select_n3A, %dma_start3A] : memref<4x8192xf32, #tpu.memory_space<hbm>> -> memref<1x8192xf32, #tpu.memory_space<hbm>>
      %dma_start3A_73 = tpu.memref_squeeze %dma_start3A_72 : memref<1x8192xf32, #tpu.memory_space<hbm>> -> memref<8192xf32, #tpu.memory_space<hbm>>
      %dma_start3A_74 = arith.constant 0 : i32
      %dma_start3A_75 = tpu.memref_slice %arg6[%select_n3A, %dma_start3A_74] : memref<4x8192xf32, #tpu.memory_space<hbm>> -> memref<1x8192xf32, #tpu.memory_space<hbm>>
      %dma_start3A_76 = tpu.memref_squeeze %dma_start3A_75 : memref<1x8192xf32, #tpu.memory_space<hbm>> -> memref<8192xf32, #tpu.memory_space<hbm>>
      tpu.enqueue_dma source(%dma_start3A_76 : memref<8192xf32, #tpu.memory_space<hbm>>) target(%arg20 : memref<8192xf32, #tpu.memory_space<vmem>>) target_semaphore(%run_scoped3A_71 : memref<!tpu.dma_semaphore, #tpu.memory_space<semaphore_mem>>)
      %dma_wait3A = arith.constant 0 : i32
      %dma_wait3A_77 = tpu.memref_slice %arg6[%select_n3A, %dma_wait3A] : memref<4x8192xf32, #tpu.memory_space<hbm>> -> memref<1x8192xf32, #tpu.memory_space<hbm>>
      %dma_wait3A_78 = tpu.memref_squeeze %dma_wait3A_77 : memref<1x8192xf32, #tpu.memory_space<hbm>> -> memref<8192xf32, #tpu.memory_space<hbm>>
      %dma_wait3A_79 = arith.constant 0 : i32
      %dma_wait3A_80 = tpu.memref_slice %arg6[%select_n3A, %dma_wait3A_79] : memref<4x8192xf32, #tpu.memory_space<hbm>> -> memref<1x8192xf32, #tpu.memory_space<hbm>>
      %dma_wait3A_81 = tpu.memref_squeeze %dma_wait3A_80 : memref<1x8192xf32, #tpu.memory_space<hbm>> -> memref<8192xf32, #tpu.memory_space<hbm>>
      tpu.wait_dma2 semaphore(%run_scoped3A_71 : memref<!tpu.dma_semaphore, #tpu.memory_space<semaphore_mem>>) src(%dma_wait3A_81 : memref<8192xf32, #tpu.memory_space<hbm>>) dst(%arg20 : memref<8192xf32, #tpu.memory_space<vmem>>)
      tpu.yield
    }) : () -> ()
    %scan3A_51 = arith.constant 0 : i32
    %scan3A_52 = arith.constant 0 : i32
    %scan3A_53 = arith.constant 256 : i32
    %scan3A_54 = arith.addi %scan3A_52, %scan3A_53 : i32
    %scan3A_55 = arith.constant 1 : i32
    scf.for %scan3A_71 = %scan3A_52 to %scan3A_54 step %scan3A_55  : i32 {
      %mul3A_72 = arith.constant 32 : i32
      %mul3A_73 = arith.muli %scan3A_71, %mul3A_72 : i32
      %get3A_74 = arith.index_cast %mul3A_73 : i32 to index
      %get3A_75 = tpu.vector_load %arg18[%get3A_74] {strides = array<i32>} : memref<8192xi32, #tpu.memory_space<vmem>>, vector<16xi32>,
      %mul3A_76 = arith.constant 32 : i32
      %mul3A_77 = arith.muli %scan3A_71, %mul3A_76 : i32
      %add3A_78 = arith.constant 16 : i32
      %add3A_79 = arith.addi %mul3A_77, %add3A_78 : i32
      %get3A_80 = arith.index_cast %add3A_79 : i32 to index
      %get3A_81 = tpu.vector_load %arg18[%get3A_80] {strides = array<i32>} : memref<8192xi32, #tpu.memory_space<vmem>>, vector<16xi32>,
      %broadcast_in_dim3A = vector.broadcast %scan3A_71 : i32 to vector<16xi32>
      %gather3A = tpu.vector_load_idx %arg16[%broadcast_in_dim3A] : memref<256xf32, #tpu.memory_space<vmem>>[vector<16xi32>], vector<16xf32>,
      %gather3A_82 = tpu.vector_load_idx %arg20[%get3A_75] : memref<8192xf32, #tpu.memory_space<vmem>>[vector<16xi32>], vector<16xf32>,
      %sub3A_83 = arith.subf %gather3A_82, %gather3A : vector<16xf32>
      %swap3A = arith.index_cast %scan3A_71 : i32 to index
      %swap3A_84 = arith.constant 0 : index
      %swap3A_85 = tpu.vector_load %arg21[%swap3A, %swap3A_84] {strides = array<i32>} : memref<256x32xf32, #tpu.memory_space<vmem>>, vector<16xf32>,
      tpu.vector_store %arg21[%swap3A, %swap3A_84], %sub3A_83 {strides = array<i32>} : memref<256x32xf32, #tpu.memory_space<vmem>>, vector<16xf32>,
      %gather3A_86 = tpu.vector_load_idx %arg20[%get3A_81] : memref<8192xf32, #tpu.memory_space<vmem>>[vector<16xi32>], vector<16xf32>,
      %sub3A_87 = arith.subf %gather3A_86, %gather3A : vector<16xf32>
      %swap3A_88 = arith.index_cast %scan3A_71 : i32 to index
      %swap3A_89 = arith.constant 16 : index
      %swap3A_90 = tpu.vector_load %arg21[%swap3A_88, %swap3A_89] {strides = array<i32>} : memref<256x32xf32, #tpu.memory_space<vmem>>, vector<16xf32>,
      tpu.vector_store %arg21[%swap3A_88, %swap3A_89], %sub3A_87 {strides = array<i32>} : memref<256x32xf32, #tpu.memory_space<vmem>>, vector<16xf32>,
    }
    %scan3A_56 = arith.constant 256 : i32
    %run_scoped3A_57 = arith.constant 1 : i32
    "tpu.region"() ({
      %run_scoped3A_71 = tpu.sem_alloc : memref<!tpu.dma_semaphore, #tpu.memory_space<semaphore_mem>>
      %dma_start3A = arith.constant 0 : i32
      %dma_start3A_72 = tpu.memref_slice %arg10[%select_n3A, %run_scoped3A_57, %mul3A_33, %dma_start3A] : memref<4x67x2048x32xf32, #tpu.memory_space<hbm>> -> memref<1x1x256x32xf32, #tpu.memory_space<hbm>>
      %dma_start3A_73 = tpu.memref_squeeze %dma_start3A_72 : memref<1x1x256x32xf32, #tpu.memory_space<hbm>> -> memref<256x32xf32, #tpu.memory_space<hbm>>
      %dma_start3A_74 = arith.constant 0 : i32
      %dma_start3A_75 = tpu.memref_slice %arg10[%select_n3A, %run_scoped3A_57, %mul3A_33, %dma_start3A_74] : memref<4x67x2048x32xf32, #tpu.memory_space<hbm>> -> memref<1x1x256x32xf32, #tpu.memory_space<hbm>>
      %dma_start3A_76 = tpu.memref_squeeze %dma_start3A_75 : memref<1x1x256x32xf32, #tpu.memory_space<hbm>> -> memref<256x32xf32, #tpu.memory_space<hbm>>
      tpu.enqueue_dma source(%arg21 : memref<256x32xf32, #tpu.memory_space<vmem>>) target(%dma_start3A_76 : memref<256x32xf32, #tpu.memory_space<hbm>>) target_semaphore(%run_scoped3A_71 : memref<!tpu.dma_semaphore, #tpu.memory_space<semaphore_mem>>)
      %dma_wait3A = arith.constant 0 : i32
      %dma_wait3A_77 = tpu.memref_slice %arg10[%select_n3A, %run_scoped3A_57, %mul3A_33, %dma_wait3A] : memref<4x67x2048x32xf32, #tpu.memory_space<hbm>> -> memref<1x1x256x32xf32, #tpu.memory_space<hbm>>
      %dma_wait3A_78 = tpu.memref_squeeze %dma_wait3A_77 : memref<1x1x256x32xf32, #tpu.memory_space<hbm>> -> memref<256x32xf32, #tpu.memory_space<hbm>>
      %dma_wait3A_79 = arith.constant 0 : i32
      %dma_wait3A_80 = tpu.memref_slice %arg10[%select_n3A, %run_scoped3A_57, %mul3A_33, %dma_wait3A_79] : memref<4x67x2048x32xf32, #tpu.memory_space<hbm>> -> memref<1x1x256x32xf32, #tpu.memory_space<hbm>>
      %dma_wait3A_81 = tpu.memref_squeeze %dma_wait3A_80 : memref<1x1x256x32xf32, #tpu.memory_space<hbm>> -> memref<256x32xf32, #tpu.memory_space<hbm>>
      tpu.wait_dma2 semaphore(%run_scoped3A_71 : memref<!tpu.dma_semaphore, #tpu.memory_space<semaphore_mem>>) src(%arg21 : memref<256x32xf32, #tpu.memory_space<vmem>>) dst(%dma_wait3A_81 : memref<256x32xf32, #tpu.memory_space<hbm>>)
      tpu.yield
    }) : () -> ()
    "tpu.region"() ({
      %run_scoped3A_71 = tpu.sem_alloc : memref<!tpu.dma_semaphore, #tpu.memory_space<semaphore_mem>>
      %dma_start3A = arith.constant 0 : i32
      %dma_start3A_72 = tpu.memref_slice %arg7[%select_n3A, %dma_start3A] : memref<4x8192xf32, #tpu.memory_space<hbm>> -> memref<1x8192xf32, #tpu.memory_space<hbm>>
      %dma_start3A_73 = tpu.memref_squeeze %dma_start3A_72 : memref<1x8192xf32, #tpu.memory_space<hbm>> -> memref<8192xf32, #tpu.memory_space<hbm>>
      %dma_start3A_74 = arith.constant 0 : i32
      %dma_start3A_75 = tpu.memref_slice %arg7[%select_n3A, %dma_start3A_74] : memref<4x8192xf32, #tpu.memory_space<hbm>> -> memref<1x8192xf32, #tpu.memory_space<hbm>>
      %dma_start3A_76 = tpu.memref_squeeze %dma_start3A_75 : memref<1x8192xf32, #tpu.memory_space<hbm>> -> memref<8192xf32, #tpu.memory_space<hbm>>
      tpu.enqueue_dma source(%dma_start3A_76 : memref<8192xf32, #tpu.memory_space<hbm>>) target(%arg20 : memref<8192xf32, #tpu.memory_space<vmem>>) target_semaphore(%run_scoped3A_71 : memref<!tpu.dma_semaphore, #tpu.memory_space<semaphore_mem>>)
      %dma_wait3A = arith.constant 0 : i32
      %dma_wait3A_77 = tpu.memref_slice %arg7[%select_n3A, %dma_wait3A] : memref<4x8192xf32, #tpu.memory_space<hbm>> -> memref<1x8192xf32, #tpu.memory_space<hbm>>
      %dma_wait3A_78 = tpu.memref_squeeze %dma_wait3A_77 : memref<1x8192xf32, #tpu.memory_space<hbm>> -> memref<8192xf32, #tpu.memory_space<hbm>>
      %dma_wait3A_79 = arith.constant 0 : i32
      %dma_wait3A_80 = tpu.memref_slice %arg7[%select_n3A, %dma_wait3A_79] : memref<4x8192xf32, #tpu.memory_space<hbm>> -> memref<1x8192xf32, #tpu.memory_space<hbm>>
      %dma_wait3A_81 = tpu.memref_squeeze %dma_wait3A_80 : memref<1x8192xf32, #tpu.memory_space<hbm>> -> memref<8192xf32, #tpu.memory_space<hbm>>
      tpu.wait_dma2 semaphore(%run_scoped3A_71 : memref<!tpu.dma_semaphore, #tpu.memory_space<semaphore_mem>>) src(%dma_wait3A_81 : memref<8192xf32, #tpu.memory_space<hbm>>) dst(%arg20 : memref<8192xf32, #tpu.memory_space<vmem>>)
      tpu.yield
    }) : () -> ()
    %scan3A_58 = arith.constant 0 : i32
    %scan3A_59 = arith.constant 0 : i32
    %scan3A_60 = arith.constant 256 : i32
    %scan3A_61 = arith.addi %scan3A_59, %scan3A_60 : i32
    %scan3A_62 = arith.constant 1 : i32
    scf.for %scan3A_71 = %scan3A_59 to %scan3A_61 step %scan3A_62  : i32 {
      %mul3A_72 = arith.constant 32 : i32
      %mul3A_73 = arith.muli %scan3A_71, %mul3A_72 : i32
      %get3A_74 = arith.index_cast %mul3A_73 : i32 to index
      %get3A_75 = tpu.vector_load %arg18[%get3A_74] {strides = array<i32>} : memref<8192xi32, #tpu.memory_space<vmem>>, vector<16xi32>,
      %mul3A_76 = arith.constant 32 : i32
      %mul3A_77 = arith.muli %scan3A_71, %mul3A_76 : i32
      %add3A_78 = arith.constant 16 : i32
      %add3A_79 = arith.addi %mul3A_77, %add3A_78 : i32
      %get3A_80 = arith.index_cast %add3A_79 : i32 to index
      %get3A_81 = tpu.vector_load %arg18[%get3A_80] {strides = array<i32>} : memref<8192xi32, #tpu.memory_space<vmem>>, vector<16xi32>,
      %broadcast_in_dim3A = vector.broadcast %scan3A_71 : i32 to vector<16xi32>
      %gather3A = tpu.vector_load_idx %arg17[%broadcast_in_dim3A] : memref<256xf32, #tpu.memory_space<vmem>>[vector<16xi32>], vector<16xf32>,
      %gather3A_82 = tpu.vector_load_idx %arg20[%get3A_75] : memref<8192xf32, #tpu.memory_space<vmem>>[vector<16xi32>], vector<16xf32>,
      %sub3A_83 = arith.subf %gather3A_82, %gather3A : vector<16xf32>
      %swap3A = arith.index_cast %scan3A_71 : i32 to index
      %swap3A_84 = arith.constant 0 : index
      %swap3A_85 = tpu.vector_load %arg21[%swap3A, %swap3A_84] {strides = array<i32>} : memref<256x32xf32, #tpu.memory_space<vmem>>, vector<16xf32>,
      tpu.vector_store %arg21[%swap3A, %swap3A_84], %sub3A_83 {strides = array<i32>} : memref<256x32xf32, #tpu.memory_space<vmem>>, vector<16xf32>,
      %gather3A_86 = tpu.vector_load_idx %arg20[%get3A_81] : memref<8192xf32, #tpu.memory_space<vmem>>[vector<16xi32>], vector<16xf32>,
      %sub3A_87 = arith.subf %gather3A_86, %gather3A : vector<16xf32>
      %swap3A_88 = arith.index_cast %scan3A_71 : i32 to index
      %swap3A_89 = arith.constant 16 : index
      %swap3A_90 = tpu.vector_load %arg21[%swap3A_88, %swap3A_89] {strides = array<i32>} : memref<256x32xf32, #tpu.memory_space<vmem>>, vector<16xf32>,
      tpu.vector_store %arg21[%swap3A_88, %swap3A_89], %sub3A_87 {strides = array<i32>} : memref<256x32xf32, #tpu.memory_space<vmem>>, vector<16xf32>,
    }
    %scan3A_63 = arith.constant 256 : i32
    %run_scoped3A_64 = arith.constant 2 : i32
    "tpu.region"() ({
      %run_scoped3A_71 = tpu.sem_alloc : memref<!tpu.dma_semaphore, #tpu.memory_space<semaphore_mem>>
      %dma_start3A = arith.constant 0 : i32
      %dma_start3A_72 = tpu.memref_slice %arg10[%select_n3A, %run_scoped3A_64, %mul3A_33, %dma_start3A] : memref<4x67x2048x32xf32, #tpu.memory_space<hbm>> -> memref<1x1x256x32xf32, #tpu.memory_space<hbm>>
      %dma_start3A_73 = tpu.memref_squeeze %dma_start3A_72 : memref<1x1x256x32xf32, #tpu.memory_space<hbm>> -> memref<256x32xf32, #tpu.memory_space<hbm>>
      %dma_start3A_74 = arith.constant 0 : i32
      %dma_start3A_75 = tpu.memref_slice %arg10[%select_n3A, %run_scoped3A_64, %mul3A_33, %dma_start3A_74] : memref<4x67x2048x32xf32, #tpu.memory_space<hbm>> -> memref<1x1x256x32xf32, #tpu.memory_space<hbm>>
      %dma_start3A_76 = tpu.memref_squeeze %dma_start3A_75 : memref<1x1x256x32xf32, #tpu.memory_space<hbm>> -> memref<256x32xf32, #tpu.memory_space<hbm>>
      tpu.enqueue_dma source(%arg21 : memref<256x32xf32, #tpu.memory_space<vmem>>) target(%dma_start3A_76 : memref<256x32xf32, #tpu.memory_space<hbm>>) target_semaphore(%run_scoped3A_71 : memref<!tpu.dma_semaphore, #tpu.memory_space<semaphore_mem>>)
      %dma_wait3A = arith.constant 0 : i32
      %dma_wait3A_77 = tpu.memref_slice %arg10[%select_n3A, %run_scoped3A_64, %mul3A_33, %dma_wait3A] : memref<4x67x2048x32xf32, #tpu.memory_space<hbm>> -> memref<1x1x256x32xf32, #tpu.memory_space<hbm>>
      %dma_wait3A_78 = tpu.memref_squeeze %dma_wait3A_77 : memref<1x1x256x32xf32, #tpu.memory_space<hbm>> -> memref<256x32xf32, #tpu.memory_space<hbm>>
      %dma_wait3A_79 = arith.constant 0 : i32
      %dma_wait3A_80 = tpu.memref_slice %arg10[%select_n3A, %run_scoped3A_64, %mul3A_33, %dma_wait3A_79] : memref<4x67x2048x32xf32, #tpu.memory_space<hbm>> -> memref<1x1x256x32xf32, #tpu.memory_space<hbm>>
      %dma_wait3A_81 = tpu.memref_squeeze %dma_wait3A_80 : memref<1x1x256x32xf32, #tpu.memory_space<hbm>> -> memref<256x32xf32, #tpu.memory_space<hbm>>
      tpu.wait_dma2 semaphore(%run_scoped3A_71 : memref<!tpu.dma_semaphore, #tpu.memory_space<semaphore_mem>>) src(%arg21 : memref<256x32xf32, #tpu.memory_space<vmem>>) dst(%dma_wait3A_81 : memref<256x32xf32, #tpu.memory_space<hbm>>)
      tpu.yield
    }) : () -> ()
    %scan3A_65 = arith.constant 0 : i32
    %scan3A_66 = arith.constant 0 : i32
    %scan3A_67 = arith.constant 64 : i32
    %scan3A_68 = arith.addi %scan3A_66, %scan3A_67 : i32
    %scan3A_69 = arith.constant 1 : i32
    scf.for %scan3A_71 = %scan3A_66 to %scan3A_68 step %scan3A_69  : i32 {
      "tpu.region"() ({
        %run_scoped3A_80 = tpu.sem_alloc : memref<!tpu.dma_semaphore, #tpu.memory_space<semaphore_mem>>
        %dma_start3A = arith.constant 0 : i32
        %dma_start3A_81 = tpu.memref_slice %arg8[%select_n3A, %scan3A_71, %dma_start3A] : memref<4x64x8192xf32, #tpu.memory_space<hbm>> -> memref<1x1x8192xf32, #tpu.memory_space<hbm>>
        %dma_start3A_82 = tpu.memref_squeeze %dma_start3A_81 : memref<1x1x8192xf32, #tpu.memory_space<hbm>> -> memref<8192xf32, #tpu.memory_space<hbm>>
        %dma_start3A_83 = arith.constant 0 : i32
        %dma_start3A_84 = tpu.memref_slice %arg8[%select_n3A, %scan3A_71, %dma_start3A_83] : memref<4x64x8192xf32, #tpu.memory_space<hbm>> -> memref<1x1x8192xf32, #tpu.memory_space<hbm>>
        %dma_start3A_85 = tpu.memref_squeeze %dma_start3A_84 : memref<1x1x8192xf32, #tpu.memory_space<hbm>> -> memref<8192xf32, #tpu.memory_space<hbm>>
        tpu.enqueue_dma source(%dma_start3A_85 : memref<8192xf32, #tpu.memory_space<hbm>>) target(%arg20 : memref<8192xf32, #tpu.memory_space<vmem>>) target_semaphore(%run_scoped3A_80 : memref<!tpu.dma_semaphore, #tpu.memory_space<semaphore_mem>>)
        %dma_wait3A = arith.constant 0 : i32
        %dma_wait3A_86 = tpu.memref_slice %arg8[%select_n3A, %scan3A_71, %dma_wait3A] : memref<4x64x8192xf32, #tpu.memory_space<hbm>> -> memref<1x1x8192xf32, #tpu.memory_space<hbm>>
        %dma_wait3A_87 = tpu.memref_squeeze %dma_wait3A_86 : memref<1x1x8192xf32, #tpu.memory_space<hbm>> -> memref<8192xf32, #tpu.memory_space<hbm>>
        %dma_wait3A_88 = arith.constant 0 : i32
        %dma_wait3A_89 = tpu.memref_slice %arg8[%select_n3A, %scan3A_71, %dma_wait3A_88] : memref<4x64x8192xf32, #tpu.memory_space<hbm>> -> memref<1x1x8192xf32, #tpu.memory_space<hbm>>
        %dma_wait3A_90 = tpu.memref_squeeze %dma_wait3A_89 : memref<1x1x8192xf32, #tpu.memory_space<hbm>> -> memref<8192xf32, #tpu.memory_space<hbm>>
        tpu.wait_dma2 semaphore(%run_scoped3A_80 : memref<!tpu.dma_semaphore, #tpu.memory_space<semaphore_mem>>) src(%dma_wait3A_90 : memref<8192xf32, #tpu.memory_space<hbm>>) dst(%arg20 : memref<8192xf32, #tpu.memory_space<vmem>>)
        tpu.yield
      }) : () -> ()
      %scan3A_72 = arith.constant 0 : i32
      %scan3A_73 = arith.constant 0 : i32
      %scan3A_74 = arith.constant 256 : i32
      %scan3A_75 = arith.addi %scan3A_73, %scan3A_74 : i32
      %scan3A_76 = arith.constant 1 : i32
      scf.for %scan3A_80 = %scan3A_73 to %scan3A_75 step %scan3A_76  : i32 {
        %mul3A_81 = arith.constant 32 : i32
        %mul3A_82 = arith.muli %scan3A_80, %mul3A_81 : i32
        %get3A_83 = arith.index_cast %mul3A_82 : i32 to index
        %get3A_84 = tpu.vector_load %arg18[%get3A_83] {strides = array<i32>} : memref<8192xi32, #tpu.memory_space<vmem>>, vector<16xi32>,
        %mul3A_85 = arith.constant 32 : i32
        %mul3A_86 = arith.muli %scan3A_80, %mul3A_85 : i32
        %add3A_87 = arith.constant 16 : i32
        %add3A_88 = arith.addi %mul3A_86, %add3A_87 : i32
        %get3A_89 = arith.index_cast %add3A_88 : i32 to index
        %get3A_90 = tpu.vector_load %arg18[%get3A_89] {strides = array<i32>} : memref<8192xi32, #tpu.memory_space<vmem>>, vector<16xi32>,
        %gather3A = tpu.vector_load_idx %arg20[%get3A_84] : memref<8192xf32, #tpu.memory_space<vmem>>[vector<16xi32>], vector<16xf32>,
        %swap3A = arith.index_cast %scan3A_80 : i32 to index
        %swap3A_91 = arith.constant 0 : index
        %swap3A_92 = tpu.vector_load %arg21[%swap3A, %swap3A_91] {strides = array<i32>} : memref<256x32xf32, #tpu.memory_space<vmem>>, vector<16xf32>,
        tpu.vector_store %arg21[%swap3A, %swap3A_91], %gather3A {strides = array<i32>} : memref<256x32xf32, #tpu.memory_space<vmem>>, vector<16xf32>,
        %gather3A_93 = tpu.vector_load_idx %arg20[%get3A_90] : memref<8192xf32, #tpu.memory_space<vmem>>[vector<16xi32>], vector<16xf32>,
        %swap3A_94 = arith.index_cast %scan3A_80 : i32 to index
        %swap3A_95 = arith.constant 16 : index
        %swap3A_96 = tpu.vector_load %arg21[%swap3A_94, %swap3A_95] {strides = array<i32>} : memref<256x32xf32, #tpu.memory_space<vmem>>, vector<16xf32>,
        tpu.vector_store %arg21[%swap3A_94, %swap3A_95], %gather3A_93 {strides = array<i32>} : memref<256x32xf32, #tpu.memory_space<vmem>>, vector<16xf32>,
      }
      %scan3A_77 = arith.constant 256 : i32
      %add3A_78 = arith.constant 3 : i32
      %add3A_79 = arith.addi %add3A_78, %scan3A_71 : i32
      "tpu.region"() ({
        %run_scoped3A_80 = tpu.sem_alloc : memref<!tpu.dma_semaphore, #tpu.memory_space<semaphore_mem>>
        %dma_start3A = arith.constant 0 : i32
        %dma_start3A_81 = tpu.memref_slice %arg10[%select_n3A, %add3A_79, %mul3A_33, %dma_start3A] : memref<4x67x2048x32xf32, #tpu.memory_space<hbm>> -> memref<1x1x256x32xf32, #tpu.memory_space<hbm>>
        %dma_start3A_82 = tpu.memref_squeeze %dma_start3A_81 : memref<1x1x256x32xf32, #tpu.memory_space<hbm>> -> memref<256x32xf32, #tpu.memory_space<hbm>>
        %dma_start3A_83 = arith.constant 0 : i32
        %dma_start3A_84 = tpu.memref_slice %arg10[%select_n3A, %add3A_79, %mul3A_33, %dma_start3A_83] : memref<4x67x2048x32xf32, #tpu.memory_space<hbm>> -> memref<1x1x256x32xf32, #tpu.memory_space<hbm>>
        %dma_start3A_85 = tpu.memref_squeeze %dma_start3A_84 : memref<1x1x256x32xf32, #tpu.memory_space<hbm>> -> memref<256x32xf32, #tpu.memory_space<hbm>>
        tpu.enqueue_dma source(%arg21 : memref<256x32xf32, #tpu.memory_space<vmem>>) target(%dma_start3A_85 : memref<256x32xf32, #tpu.memory_space<hbm>>) target_semaphore(%run_scoped3A_80 : memref<!tpu.dma_semaphore, #tpu.memory_space<semaphore_mem>>)
        %dma_wait3A = arith.constant 0 : i32
        %dma_wait3A_86 = tpu.memref_slice %arg10[%select_n3A, %add3A_79, %mul3A_33, %dma_wait3A] : memref<4x67x2048x32xf32, #tpu.memory_space<hbm>> -> memref<1x1x256x32xf32, #tpu.memory_space<hbm>>
        %dma_wait3A_87 = tpu.memref_squeeze %dma_wait3A_86 : memref<1x1x256x32xf32, #tpu.memory_space<hbm>> -> memref<256x32xf32, #tpu.memory_space<hbm>>
        %dma_wait3A_88 = arith.constant 0 : i32
        %dma_wait3A_89 = tpu.memref_slice %arg10[%select_n3A, %add3A_79, %mul3A_33, %dma_wait3A_88] : memref<4x67x2048x32xf32, #tpu.memory_space<hbm>> -> memref<1x1x256x32xf32, #tpu.memory_space<hbm>>
        %dma_wait3A_90 = tpu.memref_squeeze %dma_wait3A_89 : memref<1x1x256x32xf32, #tpu.memory_space<hbm>> -> memref<256x32xf32, #tpu.memory_space<hbm>>
        tpu.wait_dma2 semaphore(%run_scoped3A_80 : memref<!tpu.dma_semaphore, #tpu.memory_space<semaphore_mem>>) src(%arg21 : memref<256x32xf32, #tpu.memory_space<vmem>>) dst(%dma_wait3A_90 : memref<256x32xf32, #tpu.memory_space<hbm>>)
        tpu.yield
      }) : () -> ()
    }
    %scan3A_70 = arith.constant 64 : i32
    return
  }
}

</mosaic_0001>

<sc_bundles>
// kernel: kernel.3.cloned.1.call-start
scs
__scs_entry_jumppad:
0x0: {  	(pc) =	sbr.rel $0x88, $3  }
0x1: {  	(tag) =	ssettag $0x0;
	lr =	simm.s32 $0x1  }
0x2: {  	[smem:$0x3F9E] =	sst lr;
	_ =	strace $0xD0000000  }
0x3: {  	_ = 	snop  }
0x4: {  	_ = 	snop  }
0x5: {  	_ = 	snop  }
0x6: {  	_ = 	snop  }
0x7: {  	_ = 	snop  }
__scs_overlays_trampoline_lowered:
0x8: {  	[smem:$0x3FAD] =	sst s0  }
0x9: {  	[smem:$0x3FAE] =	sst s1  }
0xa: {  	[smem:$0x3FAF] =	sst s2  }
0xb: {  	[smem:$0x3FB0] =	sst s3  }
0xc: {  	[smem:$0x3FB1] =	sst s4  }
0xd: {  	[smem:$0x3FB2] =	sst s5  }
0xe: {  	[smem:$0x3FB3] =	sst s6  }
0xf: {  	[smem:$0x3FB4] =	sst s7  }
0x10: {  	[smem:$0x3FB5] =	sst s8  }
0x11: {  	[smem:$0x3FB6] =	sst s9;
	s0 =	simm.s32 @!p0 $0x0  }
0x12: {  	s1 =	sld [smem:$0x3F9C];
	s0 =	simm.s32 @p0 $0x1  }
0x13: {  	[smem:$0x3FB7] =	sst s0;
	s0 =	simm.s32 @!p1 $0x0  }
0x14: {  	s2 =	sld [smem:$0x3F9B];
	s0 =	simm.s32 @p1 $0x1  }
0x15: {  	[smem:$0x3FB8] =	sst s0;
	s0 =	simm.s32 @!p2 $0x0  }
0x16: {  	s3 =	sld [smem:$0x3FDB];
	s0 =	simm.s32 @p2 $0x1  }
0x17: {  	s4 =	simm.s32 $0x1BF5;
	[smem:$0x3FBA] =	sst s0  }
0x18: {  	s0 =	sld [smem:$0x3F9D];
	_ =	swait.ge [sflag:s4], $0x0  }
0x19: {  	s7 =	sld [smem:$0x3F9E]  }
0x1a: {  	s8 =	sadd.s32 $0xFFFFE003, lr  }
0x1b: {  	s9 =	sadd.s32 $0xFFFFFEF7, lr;
	s5 =	simm.s32 $0xFFFFFFFF;
	p2 =	slt.u32 s8, $0xFFFFF086  }
0x1c: {  	p1 =	slt.u32 s9, $0xF7A;
	s5 =	simm.s32 @!p2 $0x0  }
0x1d: {  	s5 =	simm.s32 @p1 $0x1;
	p0 =	seq.s32 s7, s2  }
0x1e: {  	s7 =	smul.u32 @!p0 $0xF7A, s2;
	p2 =	seq.s32 @!p0 s5, $0x0  }
0x1f: {  	s9 =	smul.u32 $0xF7A, s1;
	s8 =	simm.s32 @!p0 $0x1BF5;
	p2 =	por !p2, p0  }
0x20: {  	[sflag:s8] =	ssyncset.s32 @!p0 $0xFFFFF086;
	s6 =	sadd.s32 @!p0 s3, s7;
	s7 =	simm.s32 @!p0 $0x108  }
0x21: {  	s3 =	sadd.s32 s3, s9;
	s6 =	sadd.s32 @!p0 $0x88, s6;
	s7 =	simm.s32 @p2 $0x1082  }
0x22: {  	[simem:s7], [sflag:s8] =	dma.local @!p0 [hbm:s6], $0xF7A  }
0x23: {  	s9 =	sor.u32 $0xD0000000, s2;
	s6 =	simm.s32 $0x108;
	_ =	swait.ge @!p0 [sflag:s8], $0x0  }
0x24: {  	s3 =	sadd.s32 $0x88, s3;
	s6 =	simm.s32 @!p1 $0x1082;
	[sflag:s4] =	ssyncset.s32 $0xFFFFF086  }
0x25: {  	[simem:s6], [sflag:s4] =	dma.local [hbm:s3], $0xF7A  }
0x26: {  	[smem:$0x3F9E] =	sst s1;
	(tag) =	ssettag s2;
	_ =	strace s9  }
0x27: {  	s1 =	sld [smem:$0x3FAE]  }
0x28: {  	s2 =	sld [smem:$0x3FAF]  }
0x29: {  	s4 =	sld [smem:$0x3FB1]  }
0x2a: {  	p0 =	seq.s32 s5, $0x0;
	s5 =	sld [smem:$0x3FB2]  }
0x2b: {  	s6 =	sld [smem:$0x3FB3]  }
0x2c: {  	s7 =	sld [smem:$0x3FB4]  }
0x2d: {  	s3 =	simm.s32 $0x108;
	s8 =	sld [smem:$0x3FB5]  }
0x2e: {  	s3 =	simm.s32 @!p0 $0x1082;
	s9 =	sld [smem:$0x3FB6]  }
0x2f: {  	lr =	sadd.s32 s0, s3;
	s0 =	sld [smem:$0x3FAD]  }
0x30: {  	s3 =	sld [smem:$0x3FB0]  }
0x31: {  	[smem:$0x3FB9] =	sst s10  }
0x32: {  	s10 =	sld [smem:$0x3FB7];
	_ =	sdelay $0x3  }
0x33: {  	p0 =	seq.s32 s10, $0x1;
	s10 =	sld [smem:$0x3FB9];
	_ =	sdelay $0x3  }
0x34: {  	[smem:$0x3FB9] =	sst s10  }
0x35: {  	s10 =	sld [smem:$0x3FB8];
	_ =	sdelay $0x3  }
0x36: {  	p1 =	seq.s32 s10, $0x1;
	s10 =	sld [smem:$0x3FB9];
	_ =	sdelay $0x3  }
0x37: {  	[smem:$0x3FB9] =	sst s10  }
0x38: {  	s10 =	sld [smem:$0x3FBA]  }
0x39: {  	_ = 	snop;
	(pc) =	sbr.ind lr, $3  }
0x3a: {  	_ = 	snop  }
0x3b: {  	_ = 	snop  }
0x3c: {  	p2 =	seq.s32 s10, $0x1;
	s10 =	sld [smem:$0x3FB9]  }
0x3d: {  	_ =	shalt  }
0x3e: {  	_ =	shalt  }
0x3f: {  	_ =	shalt  }
0x40: {  	_ =	shalt  }
0x41: {  	_ =	shalt  }
0x42: {  	_ =	shalt  }
0x43: {  	_ =	shalt  }
0x44: {  	_ =	shalt  }
0x45: {  	_ =	shalt  }
0x46: {  	_ =	shalt  }
0x47: {  	_ =	shalt  }
0x48: {  	_ =	shalt  }
0x49: {  	_ =	shalt  }
0x4a: {  	_ =	shalt  }
0x4b: {  	_ =	shalt  }
0x4c: {  	_ =	shalt  }
0x4d: {  	_ =	shalt  }
0x4e: {  	_ =	shalt  }
0x4f: {  	_ =	shalt  }
0x50: {  	_ =	shalt  }
0x51: {  	_ =	shalt  }
0x52: {  	_ =	shalt  }
0x53: {  	_ =	shalt  }
0x54: {  	_ =	shalt  }
0x55: {  	_ =	shalt  }
0x56: {  	_ =	shalt  }
0x57: {  	_ =	shalt  }
0x58: {  	_ =	shalt  }
0x59: {  	_ =	shalt  }
0x5a: {  	_ =	shalt  }
0x5b: {  	_ =	shalt  }
0x5c: {  	_ =	shalt  }
0x5d: {  	_ =	shalt  }
0x5e: {  	_ =	shalt  }
0x5f: {  	_ =	shalt  }
0x60: {  	_ =	shalt  }
0x61: {  	_ =	shalt  }
0x62: {  	_ =	shalt  }
0x63: {  	_ =	shalt  }
0x64: {  	_ =	shalt  }
0x65: {  	_ =	shalt  }
0x66: {  	_ =	shalt  }
0x67: {  	_ =	shalt  }
0x68: {  	_ =	shalt  }
0x69: {  	_ =	shalt  }
0x6a: {  	_ =	shalt  }
0x6b: {  	_ =	shalt  }
0x6c: {  	_ =	shalt  }
0x6d: {  	_ =	shalt  }
0x6e: {  	_ =	shalt  }
0x6f: {  	_ =	shalt  }
0x70: {  	_ =	shalt  }
0x71: {  	_ =	shalt  }
0x72: {  	_ =	shalt  }
0x73: {  	_ =	shalt  }
0x74: {  	_ =	shalt  }
0x75: {  	_ =	shalt  }
0x76: {  	_ =	shalt  }
0x77: {  	_ =	shalt  }
0x78: {  	_ =	shalt  }
0x79: {  	_ =	shalt  }
0x7a: {  	_ =	shalt  }
0x7b: {  	_ =	shalt  }
0x7c: {  	_ =	shalt  }
0x7d: {  	_ =	shalt  }
0x7e: {  	_ =	shalt  }
0x7f: {  	_ =	shalt  }
0x80: {  	_ =	shalt  }
0x81: {  	_ =	shalt  }
0x82: {  	_ =	shalt  }
0x83: {  	_ =	shalt  }
0x84: {  	_ =	shalt  }
0x85: {  	_ =	shalt  }
0x86: {  	_ =	shalt  }
0x87: {  	_ =	shalt  }
.Lfunc_end0:
.L_simem_size_0:
called_computation.1_lowered:
.L_overlay_start_0:
0x88: {  	s2 =	sld [smem:$0x3FD9]  }
0x89: {  	s3 =	sld [smem:$0x3FFE];
	_ =	sdelay $0x1  }
0x8a: {  	s1 =	srdreg.scid  }
0x8b: {  	s0 =	sand.u32 $0x1, s1  }
0x8c: {  	s14 =	sshll.u32 s0, $0xA;
	s2 =	sadd.s32 s3, s2  }
0x8d: {  	s2 =	sadd.s32 s2, s14  }
0x8e: {  	[smem:$0x3FC5] =	sst s2  }
0x8f: {  	_ = 	snop  }
0x90: {  	s2 =	sld [smem:$0x3FD0];
	_ =	sdelay $0x2  }
0x91: {  	s15 =	simm.s32 $0xA;
	s4 =	simm.s32 $0x10  }
0x92: {  	[smem:s4], [sflag:s15] =	dma.local [hbm:s2], $0x1  }
0x93: {  	_ =	swait.eq [sflag:s15], $0x1  }
0x94: {  	[sflag:s15] =	ssyncset.done $0x0  }
0x95: {  	s16 =	sld [smem:$0x10];
	[sflag:s15] =	ssyncadd.s32 $0xFFFFFFFF  }
0x96: {  	s17 =	sld [smem:$0x11];
	(tm) =	ssettm $0x1  }
0x97: {  	s18 =	sld [smem:$0x3FFB];
	_ =	sdelay $0x3  }
0x98: {  	_ =	strace s18  }
0x99: {  	s4 =	sld [smem:$0x3FFC];
	_ =	sdelay $0x3  }
0x9a: {  	_ =	strace s4  }
0x9b: {  	s4 =	sld [smem:$0x3FFD];
	_ =	sdelay $0x3  }
0x9c: {  	_ =	strace s4  }
0x9d: {  	_ =	strace $0x8FFFFFFF  }
0x9e: {  	s19 =	sld [smem:$0x3FDB];
	_ =	sdelay $0x1  }
0x9f: {  	s5 =	simm.s32 $_scs_section_size  }
0xa0: {  	s6 =	simm.s32 $_size__tile_overlayer_lowered;
	s7 =	simm.s32 $_tile_overlayer_lowered  }
0xa1: {  	s22 =	simm.s32 $0x1BFF;
	s21 =	sshll.u32 s7, $0x1;
	s4 =	sadd.s32 s5, s19  }
0xa2: {  	s8 =	simm.s32 $0x0;
	s20 =	sshll.u32 s6, $0x1;
	s6 =	sadd.s32 s21, s4  }
0xa3: {  	[timem:s8], [sflag:s22] =	dma.local [hbm:s6], s20  }
0xa4: {  	_ =	swait.ge [sflag:s22], s20  }
0xa5: {  	s5 =	ssub.s32 $0x0, s20;
	[sflag:s22] =	ssyncset.done $0x0  }
0xa6: {  	[sflag:s22] =	ssyncadd.s32 s5;
	_ =	sdelay $0x1  }
0xa7: {  	s23 =	simm.s32 $0x1B8B  }
0xa8: {  	_ =	swait.ge [sflag:s23], $0x1  }
0xa9: {  	[sflag:s23] =	ssyncset.done $0x0  }
0xaa: {  	s25 =	simm.s32 $0x1B8E;
	s24 =	sld [smem:$0x3FFE];
	[sflag:s23] =	ssyncadd.s32 $0xFFFFFFFF  }
0xab: {  	s26 =	simm.s32 $execute0_lowered;
	[smem:$0x3FD2] =	sst s25  }
0xac: {  	s6 =	sshll.u32 s26, $0x1;
	_ =	strace $0x80000046;
	[dreg:$0x1] =	wrdreg $0xFFFFFFFF  }
0xad: {  	s28 =	simm.s32 $_size_execute0_lowered;
	s4 =	sadd.s32 s4, s6;
	[dreg:$0x0] =	wrdreg $0x0  }
0xae: {  	s6 =	sshll.u32 s28, $0x1;
	[dreg:$0x2] =	wrdreg s4  }
0xaf: {  	[dreg:$0x3] =	wrdreg s6  }
0xb0: {  	[dreg:$0x4] =	wrdreg $0xC0  }
0xb1: {  	_ =	task [dreg:s8], $0x5FFFF  }
0xb2: {  	[dreg:$0x1] =	wrdreg $0xFFFFFFFF  }
0xb3: {  	[dreg:$0x0] =	wrdreg $0x60  }
0xb4: {  	[dreg:$0x2] =	wrdreg s24  }
0xb5: {  	[dreg:$0x3] =	wrdreg s17  }
0xb6: {  	[dreg:$0x4] =	wrdreg s16  }
0xb7: {  	[dreg:$0x5] =	wrdreg $0x9  }
0xb8: {  	_ =	task.clear_ibuf [dreg:s8], $0x6FFFF;
	_ =	strace $0x90000046  }
0xb9: {  	s29 =	simm.s32 $0x9;
	_ =	strace $0x80000048  }
0xba: {  	_ =	swait.ge [sflag:s29], $0x1  }
0xbb: {  	[sflag:s29] =	ssyncadd.s32 $0xFFFFFFFF  }
0xbc: {  	_ =	strace $0x90000048  }
0xbd: {  	_ =	sfence  }
0xbe: {  	s30 =	sld [smem:$0x0];
	_ =	sdelay $0x2  }
0xbf: {  	s31 =	sshll.u32 s1, $0xD;
	s1 =	sshrl.u32 s1, $0x2  }
0xc0: {  	s3 =	sand.u32 $0x4000, s31;
	s1 =	sadd.s32 s1, s30  }
0xc1: {  	s0 =	sor.u32 s3, s0;
	s1 =	sshll.u32 s1, $0x11  }
0xc2: {  	s0 =	sor.u32 s1, s0  }
0xc3: {  	s0 =	sadd.s32 $0x8F2B, s0  }
0xc4: {  	[sflag:s0] =	ssyncadd.remote.s32 $0x1  }
0xc5: {  	_ =	sfence.sel $0xFFFF  }
0xc6: {  	[dreg:$0x0] =	wrdreg $0xFFFFFFFF;
	(pc) =	sbr.abs _section_cstart, $3  }
0xc7: {  	[dreg:$0x1] =	wrdreg $0xFFFFFFFF  }
0xc8: {  	_ =	task.clear_ibuf [dreg:s8], $0x2FFFF;
	_ =	strace $0x9FFFFFFF  }
0xc9: {  	(tm) =	ssettm $0x7FFFFFFF  }
tec
execute0_lowered:
.L_overlay_start_1:
0x0: {  	(tag) =	ssettag $0x1  }
0x1: {  	s0 =	rddreg [dreg:$0x0];
	s6 =	stileid.u32  }
0x2: {  	s1 =	rddreg [dreg:$0x1];
	s3 =	srdreg.scid  }
0x3: {  	s2 =	rddreg [dreg:$0x2];
	s28 =	simm.s32 $0xA300;
	s29 =	simm.s32 $0xC300  }
0x4: {  	s30 =	simm.s32 $0x0;
	s4 =	sshll.u32 s6, $0x1;
	s5 =	sand.u32 $0x1, s3  }
0x5: {  	s20 =	sshrl.u32 s6, $0x2;
	s3 =	simm.s32 $0x0;
	s12 =	sadd.s32 $0x43E00, s0  }
0x6: {  	s19 =	sand.u32 $0x6, s4;
	s8 =	sshll.u32 s20, $0x8;
	[smem:$0x7FF] =	sst s3  }
0x7: {  	s22 =	sshll.u32 s20, $0xA;
	s9 =	sshll.u32 s20, $0x10;
	s4 =	smul.u32 $0x430000, s20  }
0x8: {  	s21 =	sor.u32 s5, s19;
	_ =	strace $0x80000047;
	s23 =	sadd.s32 s22, s0  }
0x9: {  	s15 =	sadd.s32 s9, s0;
	s5 =	ssub.s32 $0x2, s5;
	[dreg:$0x4] =	wrdreg s12  }
0xa: {  	s19 =	simm.s32 $0x1;
	s7 =	sshll.u32 s21, $0x5;
	s11 =	sshll.u32 s21, $0xD  }
0xb: {  	s24 =	sshrl.u32 s5, $0x1;
	s15 =	sadd.s32 $0x3E00, s15;
	s7 =	sor.u32 s8, s7  }
0xc: {  	s6 =	sor.u32 s9, s11;
	s17 =	ssub.s32 s5, s24;
	s5 =	sadd.s32 s1, s22  }
0xd: {  	s25 =	sor.u32 s4, s11;
	s22 =	simm.s32 $0x6000;
	s24 =	simm.s32 $0x6200  }
0xe: {  	s10 =	sadd.s32 s7, s0;
	s6 =	sshrl.u32 s6, $0x3;
	s7 =	sadd.s32 $0x1E00, s23  }
0xf: {  	s31 =	sshrl.u32 s25, $0x3;
	s16 =	sadd.s32 $0x30000, s25;
	s17 =	smax.u32 s17, $0x1  }
0x10: {  	s25 =	simm.s32 $0x6300;
	s0 =	sadd.s32 s6, s0;
	s6 =	sadd.s32 $0x2E00, s23  }
0x11: {  	s26 =	sadd.s32 $0x1A00, s10;
	s9 =	sadd.s32 $0x1600, s10;
	s10 =	sadd.s32 $0x1200, s10  }
0x12: {  	v0 =	vlaneseq.u32;
	s11 =	sadd.s32 s2, s31;
	s23 =	simm.s32 $0x6100;
	[dreg:$0x5] =	wrdreg s26  }
0x13: {  	v1 =	vimm.s32 $0x0;
	v2 =	vor.u32 $0x10, v0;
	s12 =	sadd.s32 $0x44000, s0;
	s13 =	sadd.s32 $0x2000, s11;
	s14 =	sadd.s32 $0x4000, s11  }
.LBB2_1:
0x14: {  	s0 =	rddreg [dreg:$0x4];
	s1 =	simm.s32 $0xE300  }
0x15: {  	[tilespmem:s1], [sflag:$0x1] =	stream.linear.gather [hbm4b:s0+s3], $0x1, $0x38;
	[tilespmem:$0xE310] =	vst v63  }
0x16: {  	_ =	swait.ge [sflag:s19], $0x1  }
0x17: {  	[sflag:s19] =	ssyncset.done $0x0  }
0x18: {  	[sflag:s19] =	ssyncadd.s32 $0xFFFFFFFF  }
0x19: {  	v3 =	vld [tilespmem:$0xE300];
	[tilespmem:s3], [sflag:$0x1] =	stream.linear.gather [hbm4b:s5+s3], $0x2000, $0x38  }
0x1a: {  	_ =	swait.ge [sflag:s19], $0x2000  }
0x1b: {  	[sflag:s19] =	ssyncset.done $0x0  }
0x1c: {  	s21 =	simm.s32 $0x2000;
	[sflag:s19] =	ssyncadd.s32 $0xFFFFE000  }
0x1d: {  	[tilespmem:s21], [sflag:$0x1] =	stream.linear.gather [hbm4b:s6+s3], $0x2000, $0x38;
	[tilespmem:$0xE310] =	vst v63  }
0x1e: {  	_ =	swait.ge [sflag:s19], $0x2000  }
0x1f: {  	[sflag:s19] =	ssyncset.done $0x0  }
0x20: {  	s26 =	simm.s32 $0x4000;
	[sflag:s19] =	ssyncadd.s32 $0xFFFFE000  }
0x21: {  	[tilespmem:s26], [sflag:$0x1] =	stream.linear.gather [hbm4b:s7+s3], $0x2000, $0x38;
	[tilespmem:$0xE310] =	vst v63  }
0x22: {  	_ =	swait.ge [sflag:s19], $0x2000  }
0x23: {  	[sflag:s19] =	ssyncset.done $0x0  }
0x24: {  	s31 =	rddreg [dreg:$0x5];
	[sflag:s19] =	ssyncadd.s32 $0xFFFFE000  }
0x25: {  	[tilespmem:s22], [sflag:$0x1] =	stream.linear.gather [hbm4b:s31+s3], $0x100, $0x38;
	[tilespmem:$0xE310] =	vst v63  }
0x26: {  	_ =	swait.ge [sflag:s19], $0x100  }
0x27: {  	[sflag:s19] =	ssyncset.done $0x0  }
0x28: {  	[sflag:s19] =	ssyncadd.s32 $0xFFFFFF00  }
0x29: {  	[tilespmem:s23], [sflag:$0x1] =	stream.linear.gather [hbm4b:s9+s3], $0x100, $0x38;
	[tilespmem:$0xE310] =	vst v63  }
0x2a: {  	_ =	swait.ge [sflag:s19], $0x100  }
0x2b: {  	[sflag:s19] =	ssyncset.done $0x0  }
0x2c: {  	[sflag:s19] =	ssyncadd.s32 $0xFFFFFF00  }
0x2d: {  	[tilespmem:s24], [sflag:$0x1] =	stream.linear.gather [hbm4b:s10+s3], $0x100, $0x38;
	[tilespmem:$0xE310] =	vst v63  }
0x2e: {  	_ =	swait.ge [sflag:s19], $0x100  }
0x2f: {  	[sflag:s19] =	ssyncset.done $0x0  }
0x30: {  	s0 =	simm.s32 $0x0;
	[sflag:s19] =	ssyncadd.s32 $0xFFFFFF00  }
0x31: {  	v4 =	vld [tilespmem:s0+$0x0]  }
0x32: {  	v5 =	vld [tilespmem:s0+$0x2000]  }
0x33: {  	v6 =	vld [tilespmem:s0+$0x4000];
	_ =	sdelay $0x3  }
0x34: {  	v7 =	vshrl.u32 v4, $0x10;
	v8 =	vmul.f32 v4, v4  }
0x35: {  	v9 =	vshrl.u32 v5, $0x10;
	v63 =	vshrl.u32 v6, $0x10;
	v7 =	vand.u32 $0x1, v7  }
0x36: {  	v4 =	vadd.s32 v7, v4;
	v7 =	vand.u32 $0x1, v9;
	v9 =	vand.u32 $0x1, v63  }
0x37: {  	v4 =	vadd.s32 $0x7FFF, v4;
	v7 =	vadd.s32 v7, v5;
	v5 =	vmul.f32 v5, v5  }
0x38: {  	v9 =	vadd.s32 v9, v6;
	v4 =	vand.u32 $0xFFFF0000, v4;
	v7 =	vadd.s32 $0x7FFF, v7  }
0x39: {  	s1 =	simm.s32 $0x10;
	v9 =	vadd.s32 $0x7FFF, v9;
	[tilespmem:s0+$0x0] =	vst v4;
	v7 =	vand.u32 $0xFFFF0000, v7  }
0x3a: {  	s4 =	simm.s32 $0x80;
	v6 =	vmul.f32 v6, v6;
	v5 =	vadd.f32 v5, v8;
	v4 =	vld [tilespmem:s1+$0x0];
	[tilespmem:s0+$0x2000] =	vst v7;
	v7 =	vand.u32 $0xFFFF0000, v9  }
.LBB2_2:
0x3b: {  	p0 =	seq.s32 s4, $0x7FC0;
	v8 =	vld [tilespmem:s1+$0x2000];
	[tilespmem:s0+$0x4000] =	vst v7  }
0x3c: {  	v7 =	vld [tilespmem:s1+$0x4000];
	v5 =	vadd.f32 v6, v5;
	_ =	sdelay $0x1  }
0x3d: {  	[tilespmem:s0+$0xA300] =	vst v5;
	s0 =	smov.u32 s1  }
0x3e: {  	v5 =	vmul.f32 v4, v4;
	v6 =	vshrl.u32 v4, $0x10  }
0x3f: {  	v9 =	vmul.f32 v8, v8;
	v6 =	vand.u32 $0x1, v6;
	v10 =	vshrl.u32 v8, $0x10  }
.Ltmp0:
0x40: {  	v4 =	vadd.s32 v6, v4;
	v6 =	vand.u32 $0x1, v10;
	v10 =	vshrl.u32 v7, $0x10;
	(pc) =	sbr.rel @!p0 .LBB2_2-.Ltmp0, $4  }
0x41: {  	v4 =	vadd.s32 $0x7FFF, v4;
	v6 =	vadd.s32 v6, v8;
	v8 =	vand.u32 $0x1, v10  }
0x42: {  	v4 =	vand.u32 $0xFFFF0000, v4;
	v6 =	vadd.s32 $0x7FFF, v6;
	v8 =	vadd.s32 v8, v7  }
0x43: {  	s1 =	sshra.s32 s4, $0x2;
	v5 =	vadd.f32 v9, v5;
	[tilespmem:s0+$0x0] =	vst v4;
	v9 =	vand.u32 $0xFFFF0000, v6;
	v8 =	vadd.s32 $0x7FFF, v8  }
0x44: {  	s4 =	sadd.s32 $0x40, s4;
	v6 =	vmul.f32 v7, v7;
	v4 =	vld [tilespmem:s1+$0x0];
	[tilespmem:s0+$0x2000] =	vst v9;
	v7 =	vand.u32 $0xFFFF0000, v8  }
0x45: {  	v8 =	vld [tilespmem:s1+$0x2000]  }
0x46: {  	[tilespmem:s0+$0x4000] =	vst v7  }
0x47: {  	v7 =	vld [tilespmem:s1+$0x4000];
	_ =	sdelay $0x1  }
0x48: {  	v5 =	vadd.f32 v6, v5;
	v61 =	vshrl.u32 v4, $0x10  }
0x49: {  	v9 =	vmul.f32 v4, v4;
	v6 =	vand.u32 $0x1, v61;
	v10 =	vshrl.u32 v8, $0x10  }
0x4a: {  	v62 =	vmul.f32 v8, v8;
	v4 =	vadd.s32 v6, v4;
	v10 =	vand.u32 $0x1, v10  }
0x4b: {  	v63 =	vshrl.u32 v7, $0x10;
	v8 =	vadd.s32 v10, v8;
	v4 =	vadd.s32 $0x7FFF, v4  }
0x4c: {  	v10 =	vand.u32 $0x1, v63;
	v6 =	vadd.f32 v62, v9;
	v4 =	vand.u32 $0xFFFF0000, v4  }
0x4d: {  	[tilespmem:s0+$0xA300] =	vst v5;
	v8 =	vadd.s32 $0x7FFF, v8;
	v5 =	vadd.s32 v10, v7;
	v7 =	vmul.f32 v7, v7  }
0x4e: {  	[tilespmem:s1+$0x0] =	vst v4;
	v4 =	vand.u32 $0xFFFF0000, v8;
	v5 =	vadd.s32 $0x7FFF, v5  }
0x4f: {  	[tilespmem:s1+$0x2000] =	vst v4;
	v4 =	vand.u32 $0xFFFF0000, v5;
	v5 =	vadd.f32 v7, v6  }
0x50: {  	[tilespmem:s1+$0x4000] =	vst v4  }
0x51: {  	v3 =	vbroadcast v3, $0x0;
	s31 =	simm.s32 $0x0;
	[tilespmem:s1+$0xA300] =	vst v5  }
.LBB2_4:
0x52: {  	v4 =	vmov s31;
	_ =	sdelay $0x4  }
0x53: {  	v5 =	vld.idx.msk [tilespmem:v4+s22+$0x0], $0xffff  }
0x54: {  	v6 =	vld.idx.msk [tilespmem:v4+s23+$0x0], $0xffff;
	_ =	sdelay $0x1  }
0x55: {  	v7 =	vld.idx.msk [tilespmem:v4+s24+$0x0], $0xffff;
	_ =	sdelay $0x2  }
0x56: {  	v4 =	vmul.f32 v5, v5;
	v8 =	vmul.f32 v6, v6;
	_ =	sdelay $0x1  }
0x57: {  	v4 =	vadd.f32 v8, v4;
	v8 =	vmul.f32 v7, v7  }
0x58: {  	v9 =	vshrl.u32 v5, $0x10  }
0x59: {  	v4 =	vadd.f32 v8, v4;
	v8 =	vand.u32 $0x1, v9  }
0x5a: {  	v9 =	vshrl.u32 v7, $0x10;
	v5 =	vadd.s32 v8, v5;
	v8 =	vshrl.u32 v6, $0x10  }
0x5b: {  	v9 =	vand.u32 $0x1, v9;
	v5 =	vadd.s32 $0x7FFF, v5;
	v8 =	vand.u32 $0x1, v8  }
0x5c: {  	s1 =	sshll.u32 s31, $0x5;
	v7 =	vadd.s32 v9, v7;
	v9 =	vimm.s32 $0x0;
	v6 =	vadd.s32 v8, v6  }
0x5d: {  	s18 =	simm.s32 $0x30;
	s20 =	simm.s32 $0x4020;
	s21 =	simm.s32 $0xA320;
	v5 =	vand.u32 $0xFFFF0000, v5;
	v7 =	vadd.s32 $0x7FFF, v7;
	[tilespmem:s1+$0x6300] =	vst v9;
	v6 =	vadd.s32 $0x7FFF, v6  }
0x5e: {  	s26 =	simm.s32 $0x2020;
	s4 =	simm.s32 $0x20;
	s0 =	sor.u32 $0x10, s1;
	[tilespmem:s1+$0x6310] =	vst v9;
	v8 =	vmov s1;
	v7 =	vand.u32 $0xFFFF0000, v7;
	v6 =	vand.u32 $0xFFFF0000, v6  }
.LBB2_5:
0x5f: {  	v10 =	vld [tilespmem:s4+$0xFFFFFFE0]  }
0x60: {  	v11 =	vld [tilespmem:s26+$0xFFFFFFE0];
	_ =	sdelay $0x1  }
0x61: {  	v12 =	vld [tilespmem:s20+$0xFFFFFFE0];
	_ =	sdelay $0x2  }
0x62: {  	v10 =	vmul.f32 v5, v10;
	v11 =	vmul.f32 v6, v11  }
0x63: {  	v13 =	vld [tilespmem:s21+$0xFFFFFFE0]  }
0x64: {  	v10 =	vadd.f32 v11, v10;
	v11 =	vmul.f32 v7, v12;
	_ =	sdelay $0x1  }
0x65: {  	v10 =	vadd.f32 v11, v10;
	_ =	sdelay $0x1  }
0x66: {  	v11 =	vadd.f32 v13, v4;
	v10 =	vadd.f32 v10, v10;
	_ =	sdelay $0x1  }
0x67: {  	v10 =	vsub.f32 v11, v10;
	_ =	sdelay $0x1  }
0x68: {  	vm0 =	vlt.f32 v10, v3  }
0x69: {  	v10 =	vsel vm0, $0x1, v1  }
0x6a: {  	(xrf0) =	vadd.scan.msk.s32 $0xffff, v10;
	_ =	sdelay $0x5  }
0x6b: {  	v11, _, _ =	vpop (xrf0)  }
0x6c: {  	v10 =	vsub.s32 v11, v10  }
0x6d: {  	v10 =	vadd.s32 v9, v10  }
0x6e: {  	vm1 =	vlt.s32 v10, $0x20  }
0x6f: {  	vm1 =	vmand vm0, vm1  }
0x70: {  	v10 =	vadd.s32 v8, v10;
	_ =	sdelay $0x2  }
0x71: {  	s8 =	sadd.s32 $0xFFFFFFD0, s18  }
0x72: {  	v11 =	vor.u32 s8, v0  }
0x73: {  	[tilespmem:v10+s25+$0x0] =	vst.idx.msk vm1, v11  }
0x74: {  	v10 =	vld [tilespmem:s4+$0xFFFFFFF0]  }
0x75: {  	v11 =	vld [tilespmem:s26+$0xFFFFFFF0];
	_ =	sdelay $0x1  }
0x76: {  	v54 =	vld [tilespmem:s20+$0xFFFFFFF0];
	_ =	sdelay $0x2  }
0x77: {  	v10 =	vmul.f32 v5, v10;
	v11 =	vmul.f32 v6, v11  }
0x78: {  	v55 =	vld [tilespmem:s21+$0xFFFFFFF0]  }
0x79: {  	v10 =	vadd.f32 v11, v10;
	v11 =	vmul.f32 v7, v54;
	_ =	sdelay $0x1  }
0x7a: {  	v10 =	vadd.f32 v11, v10;
	_ =	sdelay $0x1  }
0x7b: {  	v11 =	vadd.f32 v55, v4;
	v10 =	vadd.f32 v10, v10;
	_ =	sdelay $0x1  }
0x7c: {  	v10 =	vsub.f32 v11, v10;
	_ =	sdelay $0x1  }
0x7d: {  	vm10 =	vlt.f32 v10, v3  }
0x7e: {  	v10 =	vsel vm10, $0x1, v1  }
0x7f: {  	(xrf0) =	vadd.scan.msk.s32 $0xffff, v10;
	_ =	sdelay $0x4  }
0x80: {  	v11 =	vmpcnt.ones.xlane vm0  }
0x81: {  	v56, _, _ =	vpop (xrf0)  }
0x82: {  	v9 =	vadd.s32 v9, v11;
	v10 =	vsub.s32 v56, v10  }
0x83: {  	v10 =	vadd.s32 v9, v10  }
0x84: {  	vm11 =	vlt.s32 v10, $0x20  }
0x85: {  	vm0 =	vmand vm10, vm11  }
0x86: {  	v10 =	vadd.s32 v8, v10;
	_ =	sdelay $0x2  }
0x87: {  	s8 =	sadd.s32 $0xFFFFFFE0, s18  }
0x88: {  	v11 =	vor.u32 s8, v0  }
0x89: {  	[tilespmem:v10+s25+$0x0] =	vst.idx.msk vm0, v11  }
0x8a: {  	v10 =	vld [tilespmem:s4+$0x0]  }
0x8b: {  	v11 =	vld [tilespmem:s26+$0x0];
	_ =	sdelay $0x1  }
0x8c: {  	v57 =	vld [tilespmem:s20+$0x0];
	_ =	sdelay $0x2  }
0x8d: {  	v10 =	vmul.f32 v5, v10;
	v11 =	vmul.f32 v6, v11  }
0x8e: {  	v58 =	vld [tilespmem:s21+$0x0]  }
0x8f: {  	v10 =	vadd.f32 v11, v10;
	v11 =	vmul.f32 v7, v57;
	_ =	sdelay $0x1  }
0x90: {  	v10 =	vadd.f32 v11, v10;
	_ =	sdelay $0x1  }
0x91: {  	v11 =	vadd.f32 v58, v4;
	v10 =	vadd.f32 v10, v10;
	_ =	sdelay $0x1  }
0x92: {  	v10 =	vsub.f32 v11, v10;
	_ =	sdelay $0x1  }
0x93: {  	vm12 =	vlt.f32 v10, v3  }
0x94: {  	v10 =	vsel vm12, $0x1, v1  }
0x95: {  	(xrf0) =	vadd.scan.msk.s32 $0xffff, v10;
	_ =	sdelay $0x4  }
0x96: {  	v11 =	vmpcnt.ones.xlane vm10  }
0x97: {  	v59, _, _ =	vpop (xrf0)  }
0x98: {  	v9 =	vadd.s32 v9, v11;
	v10 =	vsub.s32 v59, v10  }
0x99: {  	v10 =	vadd.s32 v9, v10  }
0x9a: {  	vm13 =	vlt.s32 v10, $0x20  }
0x9b: {  	vm1 =	vmand vm12, vm13  }
0x9c: {  	v10 =	vadd.s32 v8, v10;
	_ =	sdelay $0x2  }
0x9d: {  	s8 =	sadd.s32 $0xFFFFFFF0, s18  }
0x9e: {  	v11 =	vor.u32 s8, v0  }
0x9f: {  	[tilespmem:v10+s25+$0x0] =	vst.idx.msk vm1, v11  }
0xa0: {  	v10 =	vld [tilespmem:s4+$0x10]  }
0xa1: {  	v11 =	vld [tilespmem:s26+$0x10];
	_ =	sdelay $0x1  }
0xa2: {  	v60 =	vld [tilespmem:s20+$0x10];
	_ =	sdelay $0x2  }
0xa3: {  	v10 =	vmul.f32 v5, v10;
	v11 =	vmul.f32 v6, v11  }
0xa4: {  	v61 =	vld [tilespmem:s21+$0x10]  }
0xa5: {  	v10 =	vadd.f32 v11, v10;
	v11 =	vmul.f32 v7, v60;
	_ =	sdelay $0x1  }
0xa6: {  	v10 =	vadd.f32 v11, v10;
	_ =	sdelay $0x1  }
0xa7: {  	v11 =	vadd.f32 v61, v4;
	v10 =	vadd.f32 v10, v10;
	_ =	sdelay $0x1  }
0xa8: {  	v10 =	vsub.f32 v11, v10;
	_ =	sdelay $0x1  }
0xa9: {  	vm14 =	vlt.f32 v10, v3  }
0xaa: {  	v10 =	vsel vm14, $0x1, v1  }
0xab: {  	(xrf0) =	vadd.scan.msk.s32 $0xffff, v10;
	_ =	sdelay $0x4  }
0xac: {  	v11 =	vmpcnt.ones.xlane vm12  }
0xad: {  	v62, _, _ =	vpop (xrf0)  }
0xae: {  	v9 =	vadd.s32 v9, v11;
	v10 =	vsub.s32 v62, v10  }
0xaf: {  	v10 =	vadd.s32 v9, v10  }
0xb0: {  	vm15 =	vlt.s32 v10, $0x20  }
0xb1: {  	vm0 =	vmand vm14, vm15  }
0xb2: {  	p0 =	sne.s32 s18, $0x1FF0;
	v10 =	vadd.s32 v8, v10  }
.Ltmp1:
0xb3: {  	_ = 	snop;
	(pc) =	sbr.rel @p0 .LBB2_5-.Ltmp1, $4  }
0xb4: {  	_ = 	snop  }
0xb5: {  	v11 =	vmpcnt.ones.xlane vm14  }
0xb6: {  	v63 =	vor.u32 s18, v0;
	s18 =	sadd.s32 $0x40, s18;
	s20 =	sadd.s32 $0x40, s20  }
0xb7: {  	s21 =	sadd.s32 $0x40, s21;
	s26 =	sadd.s32 $0x40, s26;
	s4 =	sadd.s32 $0x40, s4;
	v9 =	vadd.s32 v9, v11;
	[tilespmem:v10+s25+$0x0] =	vst.idx.msk vm0, v63  }
0xb8: {  	_ =	sdelay $0x3  }
0xb9: {  	v4 =	vld.idx.msk [tilespmem:v8+s25+$0x0], $0xffff  }
0xba: {  	v5 =	vld [tilespmem:s1+$0x6300]  }
0xbb: {  	v6 =	vld [tilespmem:s0+$0x6300];
	_ =	sdelay $0x1  }
0xbc: {  	s31 =	sadd.s32 $0x1, s31  }
0xbd: {  	vm0 =	vgt.s32 v9, v0;
	p0 =	sne.s32 s31, $0x100  }
.Ltmp2:
0xbe: {  	vm1 =	vgt.s32 v9, v2;
	v5 =	vsel vm0, v5, v4;
	(pc) =	sbr.rel @p0 .LBB2_4-.Ltmp2, $4  }
0xbf: {  	v4 =	vsel vm1, v6, v4;
	[tilespmem:s1+$0x6300] =	vst v5  }
0xc0: {  	[tilespmem:s0+$0x6300] =	vst v4;
	v4 =	vsel vm0, $0x1, v1  }
0xc1: {  	[tilespmem:s1+$0x8300] =	vst v4;
	v4 =	vsel vm1, $0x1, v1  }
0xc2: {  	[tilespmem:s0+$0x8300] =	vst v4  }
0xc3: {  	s0 =	simm.s32 $0x0;
	s1 =	simm.s32 $0x8300  }
0xc4: {  	[hbm4b:s12+s0] =	stream.linear.scatter [tilespmem:s1], [sflag:$0x1], $0x2000, $0x38;
	[tilespmem:$0xE310] =	vst v63  }
0xc5: {  	_ =	swait.ge [sflag:s19], $0x2000  }
0xc6: {  	[sflag:s19] =	ssyncset.done $0x0  }
0xc7: {  	[sflag:s19] =	ssyncadd.s32 $0xFFFFE000  }
0xc8: {  	[tilespmem:s28], [sflag:$0x1] =	stream.linear.gather [hbm4b:s5+s0], $0x2000, $0x38;
	[tilespmem:$0xE310] =	vst v63  }
0xc9: {  	_ =	swait.ge [sflag:s19], $0x2000  }
0xca: {  	[sflag:s19] =	ssyncset.done $0x0  }
0xcb: {  	s31 =	simm.s32 $0x6310;
	[sflag:s19] =	ssyncadd.s32 $0xFFFFE000  }
0xcc: {  	v3 =	vld [tilespmem:s31+$0xFFFFFFF0]  }
0xcd: {  	v4 =	vmov s0;
	_ =	sdelay $0x4  }
0xce: {  	v4 =	vld.idx.msk [tilespmem:v4+s22+$0x0], $0xffff  }
0xcf: {  	v5 =	vld [tilespmem:s31+$0x0]  }
0xd0: {  	v3 =	vld.idx.msk [tilespmem:v3+s28+$0x0], $0xffff;
	_ =	sdelay $0x4  }
0xd1: {  	v3 =	vsub.f32 v3, v4  }
0xd2: {  	s0 =	simm.s32 $0xC310  }
0xd3: {  	[tilespmem:s0+$0xFFFFFFF0] =	vst v3  }
0xd4: {  	v3 =	vld.idx.msk [tilespmem:v5+s28+$0x0], $0xffff;
	_ =	sdelay $0x3  }
0xd5: {  	s4 =	simm.s32 $0x1  }
0xd6: {  	v3 =	vsub.f32 v3, v4;
	v4 =	vmov s4;
	_ =	sdelay $0x2  }
0xd7: {  	s1 =	simm.s32 $0x6330;
	[tilespmem:s0+$0x0] =	vst v3  }
0xd8: {  	s4 =	simm.s32 $0x2;
	v3 =	vld [tilespmem:s1+$0xFFFFFFF0]  }
.LBB2_8:
0xd9: {  	p0 =	sne.s32 s4, $0xFF;
	v5 =	vld.idx.msk [tilespmem:v4+s22+$0x0], $0xffff  }
0xda: {  	v4 =	vld [tilespmem:s1+$0x0];
	_ =	sdelay $0x5  }
0xdb: {  	v3 =	vld.idx.msk [tilespmem:v3+s28+$0x0], $0xffff;
	_ =	sdelay $0x5  }
0xdc: {  	v3 =	vsub.f32 v3, v5  }
0xdd: {  	s0 =	sadd.s32 $0x20, s0  }
0xde: {  	[tilespmem:s0+$0xFFFFFFF0] =	vst v3  }
0xdf: {  	v3 =	vld.idx.msk [tilespmem:v4+s28+$0x0], $0xffff;
	_ =	sdelay $0x4  }
.Ltmp3:
0xe0: {  	v4 =	vmov s4;
	(pc) =	sbr.rel @p0 .LBB2_8-.Ltmp3, $3  }
0xe1: {  	v3 =	vsub.f32 v3, v5;
	_ =	sdelay $0x1  }
0xe2: {  	s1 =	sadd.s32 $0x20, s1;
	[tilespmem:s0+$0x0] =	vst v3  }
0xe3: {  	s4 =	sadd.s32 $0x1, s4;
	v3 =	vld [tilespmem:s1+$0xFFFFFFF0]  }
0xe4: {  	_ =	sdelay $0x5  }
0xe5: {  	v4 =	vld.idx.msk [tilespmem:v4+s22+$0x0], $0xffff  }
0xe6: {  	v5 =	vld [tilespmem:s1+$0x0]  }
0xe7: {  	v3 =	vld.idx.msk [tilespmem:v3+s28+$0x0], $0xffff;
	_ =	sdelay $0x4  }
0xe8: {  	v3 =	vsub.f32 v3, v4  }
0xe9: {  	s0 =	sadd.s32 $0x20, s0  }
0xea: {  	[tilespmem:s0+$0xFFFFFFF0] =	vst v3  }
0xeb: {  	v3 =	vld.idx.msk [tilespmem:v5+s28+$0x0], $0xffff;
	_ =	sdelay $0x4  }
0xec: {  	v3 =	vsub.f32 v3, v4;
	_ =	sdelay $0x1  }
0xed: {  	s26 =	simm.s32 $0x0;
	[tilespmem:s0+$0x0] =	vst v3  }
0xee: {  	[hbm4b:s11+s26] =	stream.linear.scatter [tilespmem:s29], [sflag:$0x1], $0x2000, $0x38;
	[tilespmem:$0xE310] =	vst v63  }
0xef: {  	_ =	swait.ge [sflag:s19], $0x2000  }
0xf0: {  	[sflag:s19] =	ssyncset.done $0x0  }
0xf1: {  	[sflag:s19] =	ssyncadd.s32 $0xFFFFE000  }
0xf2: {  	[tilespmem:s28], [sflag:$0x1] =	stream.linear.gather [hbm4b:s6+s26], $0x2000, $0x38;
	[tilespmem:$0xE310] =	vst v63  }
0xf3: {  	_ =	swait.ge [sflag:s19], $0x2000  }
0xf4: {  	[sflag:s19] =	ssyncset.done $0x0  }
0xf5: {  	s31 =	simm.s32 $0x6310;
	[sflag:s19] =	ssyncadd.s32 $0xFFFFE000  }
0xf6: {  	v3 =	vld [tilespmem:s31+$0xFFFFFFF0]  }
0xf7: {  	v4 =	vmov s26;
	_ =	sdelay $0x4  }
0xf8: {  	v4 =	vld.idx.msk [tilespmem:v4+s23+$0x0], $0xffff  }
0xf9: {  	v5 =	vld [tilespmem:s31+$0x0]  }
0xfa: {  	v3 =	vld.idx.msk [tilespmem:v3+s28+$0x0], $0xffff;
	_ =	sdelay $0x4  }
0xfb: {  	v3 =	vsub.f32 v3, v4  }
0xfc: {  	s0 =	simm.s32 $0xC310  }
0xfd: {  	[tilespmem:s0+$0xFFFFFFF0] =	vst v3  }
0xfe: {  	v3 =	vld.idx.msk [tilespmem:v5+s28+$0x0], $0xffff;
	_ =	sdelay $0x3  }
0xff: {  	s4 =	simm.s32 $0x1  }
0x100: {  	v3 =	vsub.f32 v3, v4;
	v4 =	vmov s4;
	_ =	sdelay $0x2  }
0x101: {  	s1 =	simm.s32 $0x6330;
	[tilespmem:s0+$0x0] =	vst v3  }
0x102: {  	s4 =	simm.s32 $0x2;
	v3 =	vld [tilespmem:s1+$0xFFFFFFF0]  }
.LBB2_10:
0x103: {  	p0 =	sne.s32 s4, $0xFF;
	v5 =	vld.idx.msk [tilespmem:v4+s23+$0x0], $0xffff  }
0x104: {  	v4 =	vld [tilespmem:s1+$0x0];
	_ =	sdelay $0x5  }
0x105: {  	v3 =	vld.idx.msk [tilespmem:v3+s28+$0x0], $0xffff;
	_ =	sdelay $0x5  }
0x106: {  	v3 =	vsub.f32 v3, v5  }
0x107: {  	s0 =	sadd.s32 $0x20, s0  }
0x108: {  	[tilespmem:s0+$0xFFFFFFF0] =	vst v3  }
0x109: {  	v3 =	vld.idx.msk [tilespmem:v4+s28+$0x0], $0xffff;
	_ =	sdelay $0x4  }
.Ltmp4:
0x10a: {  	v4 =	vmov s4;
	(pc) =	sbr.rel @p0 .LBB2_10-.Ltmp4, $3  }
0x10b: {  	v3 =	vsub.f32 v3, v5;
	_ =	sdelay $0x1  }
0x10c: {  	s1 =	sadd.s32 $0x20, s1;
	[tilespmem:s0+$0x0] =	vst v3  }
0x10d: {  	s4 =	sadd.s32 $0x1, s4;
	v3 =	vld [tilespmem:s1+$0xFFFFFFF0]  }
0x10e: {  	_ =	sdelay $0x5  }
0x10f: {  	v4 =	vld.idx.msk [tilespmem:v4+s23+$0x0], $0xffff  }
0x110: {  	v5 =	vld [tilespmem:s1+$0x0]  }
0x111: {  	v3 =	vld.idx.msk [tilespmem:v3+s28+$0x0], $0xffff;
	_ =	sdelay $0x4  }
0x112: {  	v3 =	vsub.f32 v3, v4  }
0x113: {  	s0 =	sadd.s32 $0x20, s0  }
0x114: {  	[tilespmem:s0+$0xFFFFFFF0] =	vst v3  }
0x115: {  	v3 =	vld.idx.msk [tilespmem:v5+s28+$0x0], $0xffff;
	_ =	sdelay $0x4  }
0x116: {  	v3 =	vsub.f32 v3, v4;
	_ =	sdelay $0x1  }
0x117: {  	s26 =	simm.s32 $0x0;
	[tilespmem:s0+$0x0] =	vst v3  }
0x118: {  	[hbm4b:s13+s26] =	stream.linear.scatter [tilespmem:s29], [sflag:$0x1], $0x2000, $0x38;
	[tilespmem:$0xE310] =	vst v63  }
0x119: {  	_ =	swait.ge [sflag:s19], $0x2000  }
0x11a: {  	[sflag:s19] =	ssyncset.done $0x0  }
0x11b: {  	[sflag:s19] =	ssyncadd.s32 $0xFFFFE000  }
0x11c: {  	[tilespmem:s28], [sflag:$0x1] =	stream.linear.gather [hbm4b:s7+s26], $0x2000, $0x38;
	[tilespmem:$0xE310] =	vst v63  }
0x11d: {  	_ =	swait.ge [sflag:s19], $0x2000  }
0x11e: {  	[sflag:s19] =	ssyncset.done $0x0  }
0x11f: {  	s31 =	simm.s32 $0x6310;
	[sflag:s19] =	ssyncadd.s32 $0xFFFFE000  }
0x120: {  	v3 =	vld [tilespmem:s31+$0xFFFFFFF0]  }
0x121: {  	v4 =	vmov s26;
	_ =	sdelay $0x4  }
0x122: {  	v4 =	vld.idx.msk [tilespmem:v4+s24+$0x0], $0xffff  }
0x123: {  	v5 =	vld [tilespmem:s31+$0x0]  }
0x124: {  	v3 =	vld.idx.msk [tilespmem:v3+s28+$0x0], $0xffff;
	_ =	sdelay $0x4  }
0x125: {  	v3 =	vsub.f32 v3, v4  }
0x126: {  	s0 =	simm.s32 $0xC310  }
0x127: {  	[tilespmem:s0+$0xFFFFFFF0] =	vst v3  }
0x128: {  	v3 =	vld.idx.msk [tilespmem:v5+s28+$0x0], $0xffff;
	_ =	sdelay $0x3  }
0x129: {  	s4 =	simm.s32 $0x1  }
0x12a: {  	v3 =	vsub.f32 v3, v4;
	v4 =	vmov s4;
	_ =	sdelay $0x2  }
0x12b: {  	s1 =	simm.s32 $0x6330;
	[tilespmem:s0+$0x0] =	vst v3  }
0x12c: {  	s4 =	simm.s32 $0x2;
	v3 =	vld [tilespmem:s1+$0xFFFFFFF0]  }
.LBB2_12:
0x12d: {  	p0 =	sne.s32 s4, $0xFF;
	v5 =	vld.idx.msk [tilespmem:v4+s24+$0x0], $0xffff  }
0x12e: {  	v4 =	vld [tilespmem:s1+$0x0];
	_ =	sdelay $0x5  }
0x12f: {  	v3 =	vld.idx.msk [tilespmem:v3+s28+$0x0], $0xffff;
	_ =	sdelay $0x5  }
0x130: {  	v3 =	vsub.f32 v3, v5  }
0x131: {  	s0 =	sadd.s32 $0x20, s0  }
0x132: {  	[tilespmem:s0+$0xFFFFFFF0] =	vst v3  }
0x133: {  	v3 =	vld.idx.msk [tilespmem:v4+s28+$0x0], $0xffff;
	_ =	sdelay $0x4  }
.Ltmp5:
0x134: {  	v4 =	vmov s4;
	(pc) =	sbr.rel @p0 .LBB2_12-.Ltmp5, $3  }
0x135: {  	v3 =	vsub.f32 v3, v5;
	_ =	sdelay $0x1  }
0x136: {  	s1 =	sadd.s32 $0x20, s1;
	[tilespmem:s0+$0x0] =	vst v3  }
0x137: {  	s4 =	sadd.s32 $0x1, s4;
	v3 =	vld [tilespmem:s1+$0xFFFFFFF0]  }
0x138: {  	_ =	sdelay $0x5  }
0x139: {  	v4 =	vld.idx.msk [tilespmem:v4+s24+$0x0], $0xffff  }
0x13a: {  	v5 =	vld [tilespmem:s1+$0x0]  }
0x13b: {  	v3 =	vld.idx.msk [tilespmem:v3+s28+$0x0], $0xffff;
	_ =	sdelay $0x4  }
0x13c: {  	v3 =	vsub.f32 v3, v4  }
0x13d: {  	s0 =	sadd.s32 $0x20, s0  }
0x13e: {  	[tilespmem:s0+$0xFFFFFFF0] =	vst v3  }
0x13f: {  	v3 =	vld.idx.msk [tilespmem:v5+s28+$0x0], $0xffff;
	_ =	sdelay $0x4  }
0x140: {  	v3 =	vsub.f32 v3, v4;
	_ =	sdelay $0x1  }
0x141: {  	[tilespmem:s0+$0x0] =	vst v3;
	s0 =	simm.s32 $0x0  }
0x142: {  	[hbm4b:s14+s0] =	stream.linear.scatter [tilespmem:s29], [sflag:$0x1], $0x2000, $0x38;
	[tilespmem:$0xE310] =	vst v63  }
0x143: {  	_ =	swait.ge [sflag:s19], $0x2000  }
0x144: {  	[sflag:s19] =	ssyncset.done $0x0  }
0x145: {  	s1 =	simm.s32 $0x0;
	[sflag:s19] =	ssyncadd.s32 $0xFFFFE000  }
.LBB2_14:
0x146: {  	s4 =	sshll.u32 s1, $0xA  }
0x147: {  	s4 =	sadd.s32 s4, s15  }
0x148: {  	[tilespmem:s28], [sflag:$0x1] =	stream.linear.gather [hbm4b:s4+s0], $0x2000, $0x38;
	[tilespmem:$0xE310] =	vst v63  }
0x149: {  	_ =	swait.ge [sflag:s19], $0x2000  }
0x14a: {  	[sflag:s19] =	ssyncset.done $0x0  }
0x14b: {  	s4 =	simm.s32 $0x0;
	[sflag:s19] =	ssyncadd.s32 $0xFFFFE000  }
0x14c: {  	v4 =	vld [tilespmem:s4+$0x6300];
	_ =	sdelay $0x5  }
0x14d: {  	v3 =	vld [tilespmem:s4+$0x6310];
	_ =	sdelay $0x1  }
0x14e: {  	v4 =	vld.idx.msk [tilespmem:v4+s28+$0x0], $0xffff;
	_ =	sdelay $0x3  }
0x14f: {  	s18 =	simm.s32 $0x20;
	s20 =	simm.s32 $0x100  }
.LBB2_15:
0x150: {  	p0 =	sne.s32 s20, $0x7F80;
	v5 =	vld [tilespmem:s18+$0x6300];
	[tilespmem:s4+$0xC300] =	vst v4  }
0x151: {  	v4 =	vld.idx.msk [tilespmem:v3+s28+$0x0], $0xffff;
	_ =	sdelay $0x5  }
0x152: {  	v3 =	vld [tilespmem:s18+$0x6310];
	[tilespmem:s4+$0xC310] =	vst v4;
	s4 =	smov.u32 s18  }
0x153: {  	v4 =	vld.idx.msk [tilespmem:v5+s28+$0x0], $0xffff  }
.Ltmp6:
0x154: {  	(pc) =	sbr.rel @p0 .LBB2_15-.Ltmp6, $2  }
0x155: {  	_ =	sdelay $0x2  }
0x156: {  	s18 =	sshra.s32 s20, $0x2;
	s20 =	sadd.s32 $0x80, s20  }
0x157: {  	_ =	sdelay $0x1  }
0x158: {  	v5 =	vld [tilespmem:s18+$0x6300]  }
0x159: {  	[tilespmem:s4+$0xC300] =	vst v4  }
0x15a: {  	v3 =	vld.idx.msk [tilespmem:v3+s28+$0x0], $0xffff;
	_ =	sdelay $0x3  }
0x15b: {  	v4 =	vld [tilespmem:s18+$0x6310]  }
0x15c: {  	[tilespmem:s4+$0xC310] =	vst v3  }
0x15d: {  	v3 =	vld.idx.msk [tilespmem:v5+s28+$0x0], $0xffff;
	_ =	sdelay $0x4  }
0x15e: {  	[tilespmem:s18+$0xC300] =	vst v3  }
0x15f: {  	v3 =	vld.idx.msk [tilespmem:v4+s28+$0x0], $0xffff;
	_ =	sdelay $0x1  }
0x160: {  	s31 =	sshll.u32 s1, $0x10  }
0x161: {  	s1 =	sadd.s32 $0x1, s1;
	s4 =	sadd.s32 s31, s16  }
0x162: {  	p0 =	sne.s32 s1, $0x40;
	s4 =	sshrl.u32 s4, $0x3  }
.Ltmp7:
0x163: {  	s4 =	sadd.s32 s2, s4;
	[tilespmem:s18+$0xC310] =	vst v3;
	(pc) =	sbr.rel @p0 .LBB2_14-.Ltmp7, $4  }
0x164: {  	[hbm4b:s4+s3] =	stream.linear.scatter [tilespmem:s29], [sflag:$0x1], $0x2000, $0x38;
	[tilespmem:$0xE310] =	vst v63  }
0x165: {  	_ =	swait.ge [sflag:s19], $0x2000  }
0x166: {  	[sflag:s19] =	ssyncset.done $0x0  }
0x167: {  	[sflag:s19] =	ssyncadd.s32 $0xFFFFE000  }
0x168: {  	s30 =	sadd.s32 $0x1, s30  }
0x169: {  	p0 =	sne.s32 s30, s17  }
.Ltmp8:
0x16a: {  	_ = 	snop;
	(pc) =	sbr.rel @p0 .LBB2_1-.Ltmp8, $1  }
0x16b: {  	_ =	sdelay $0x3  }
0x16c: {  	_ =	sfence.sel $0x180000  }
0x16d: {  	[bflag:$0x0] =	sbarrier.arrive $0xFFFF  }
0x16e: {  	_ =	strace $0x90000047  }
0x16f: {  	s0 =	stileid.u32;
	[bflag:$0x2] =	sbarrier.arrive $0xFFFF  }
0x170: {  	p0 =	sne.s32 s0, $0x0;
	s0 =	rddreg [dreg:$0x3]  }
0x171: {  	s0 =	sadd.s32 @!p0 $0x100000, s0  }
0x172: {  	[sflag:s0] =	ssyncadd.tile.s32 @!p0 $0x1;
	_ =	shalt  }
.Lfunc_end2:
_tile_overlayer_lowered:
.L_overlay_start_2:
0x173: {  	(tag) =	ssettag $0x2  }
0x174: {  	s0 =	rddreg [dreg:$0x0];
	s2 =	stileid.u32  }
0x175: {  	s1 =	rddreg [dreg:$0x1];
	p0 =	sne.s32 s2, $0x0  }
0x176: {  	s3 =	rddreg [dreg:$0x2];
	[bflag:$0x3] =	sbarrier.arrive $0xFFFF;
	s2 =	simm.s32 @!p0 $0x1C01  }
0x177: {  	[timem:s3], [sflag:s2] =	dma.local @!p0 [hbm:s0], s1  }
0x178: {  	s0 =	simm.s32 @!p0 $0x1  }
0x179: {  	_ =	swait.ge @!p0 [sflag:s0], s1  }
0x17a: {  	s1 =	ssub.s32 @!p0 $0x0, s1;
	[sflag:s0] =	ssyncset.done @!p0 $0x0  }
0x17b: {  	[sflag:s0] =	ssyncadd.s32 @!p0 s1  }
0x17c: {  	[bflag:$0x3] =	sbarrier.arrive $0xFFFF  }
0x17d: {  	_ =	shalt  }

// kernel: sparse-core-data-format-call.cloned.1.call-start
scs
called_computation_lowered:
.L_overlay_start_0:
0x0: {  	s2 =	sld [smem:$0x3FD9]  }
0x1: {  	s3 =	sld [smem:$0x3FFE];
	_ =	sdelay $0x1  }
0x2: {  	s1 =	srdreg.scid  }
0x3: {  	s0 =	sand.u32 $0x1, s1  }
0x4: {  	s15 =	sshll.u32 s0, $0xA;
	s2 =	sadd.s32 s3, s2  }
0x5: {  	s2 =	sadd.s32 s2, s15  }
0x6: {  	[smem:$0x3FC5] =	sst s2  }
0x7: {  	_ = 	snop  }
0x8: {  	s2 =	sld [smem:$0x3FD0];
	_ =	sdelay $0x2  }
0x9: {  	s16 =	simm.s32 $0xA;
	s4 =	simm.s32 $0x10  }
0xa: {  	[smem:s4], [sflag:s16] =	dma.local [hbm:s2], $0x1  }
0xb: {  	_ =	swait.eq [sflag:s16], $0x1  }
0xc: {  	[sflag:s16] =	ssyncset.done $0x0  }
0xd: {  	[sflag:s16] =	ssyncadd.s32 $0xFFFFFFFF  }
0xe: {  	s17 =	sld [smem:$0x10];
	(tm) =	ssettm $0x1  }
0xf: {  	s18 =	sld [smem:$0x3FFB];
	_ =	sdelay $0x3  }
0x10: {  	_ =	strace s18  }
0x11: {  	s3 =	sld [smem:$0x3FFC];
	_ =	sdelay $0x3  }
0x12: {  	_ =	strace s3  }
0x13: {  	s3 =	sld [smem:$0x3FFD];
	_ =	sdelay $0x3  }
0x14: {  	_ =	strace s3  }
0x15: {  	_ =	strace $0x8FFFFFFF  }
0x16: {  	s19 =	sld [smem:$0x3FDB];
	_ =	sdelay $0x1  }
0x17: {  	s20 =	simm.s32 $_scs_section_size  }
0x18: {  	s5 =	simm.s32 $_size__tile_overlayer_lowered;
	s6 =	simm.s32 $_tile_overlayer_lowered  }
0x19: {  	s23 =	simm.s32 $0x1BFF;
	s22 =	sshll.u32 s6, $0x1;
	s3 =	sadd.s32 s20, s19  }
0x1a: {  	s7 =	simm.s32 $0x0;
	s21 =	sshll.u32 s5, $0x1;
	s5 =	sadd.s32 s22, s3  }
0x1b: {  	[timem:s7], [sflag:s23] =	dma.local [hbm:s5], s21  }
0x1c: {  	_ =	swait.ge [sflag:s23], s21  }
0x1d: {  	s4 =	ssub.s32 $0x0, s21;
	[sflag:s23] =	ssyncset.done $0x0  }
0x1e: {  	[sflag:s23] =	ssyncadd.s32 s4;
	_ =	sdelay $0x1  }
0x1f: {  	s24 =	simm.s32 $0x1B8B  }
0x20: {  	_ =	swait.ge [sflag:s24], $0x1  }
0x21: {  	[sflag:s24] =	ssyncset.done $0x0  }
0x22: {  	s26 =	simm.s32 $0x1B8E;
	s25 =	sld [smem:$0x3FFE];
	[sflag:s24] =	ssyncadd.s32 $0xFFFFFFFF  }
0x23: {  	s27 =	simm.s32 $execute0_lowered;
	[smem:$0x3FD2] =	sst s26  }
0x24: {  	s5 =	sshll.u32 s27, $0x1;
	_ =	strace $0x80000049;
	[dreg:$0x1] =	wrdreg $0xFFFFFFFF  }
0x25: {  	s28 =	simm.s32 $_size_execute0_lowered;
	s3 =	sadd.s32 s3, s5;
	[dreg:$0x0] =	wrdreg $0x0  }
0x26: {  	s5 =	sshll.u32 s28, $0x1;
	[dreg:$0x2] =	wrdreg s3  }
0x27: {  	[dreg:$0x3] =	wrdreg s5  }
0x28: {  	[dreg:$0x4] =	wrdreg $0xC0  }
0x29: {  	_ =	task [dreg:s7], $0x5FFFF  }
0x2a: {  	[dreg:$0x1] =	wrdreg $0xFFFFFFFF  }
0x2b: {  	[dreg:$0x0] =	wrdreg $0x60  }
0x2c: {  	[dreg:$0x2] =	wrdreg s25  }
0x2d: {  	[dreg:$0x3] =	wrdreg s17  }
0x2e: {  	[dreg:$0x4] =	wrdreg $0x9  }
0x2f: {  	_ =	task.clear_ibuf [dreg:s7], $0x5FFFF;
	_ =	strace $0x90000049  }
0x30: {  	s29 =	simm.s32 $0x9;
	_ =	strace $0x8000004B  }
0x31: {  	_ =	swait.ge [sflag:s29], $0x1  }
0x32: {  	[sflag:s29] =	ssyncadd.s32 $0xFFFFFFFF  }
0x33: {  	_ =	strace $0x9000004B  }
0x34: {  	_ =	sfence  }
0x35: {  	s30 =	sld [smem:$0x0];
	_ =	sdelay $0x2  }
0x36: {  	s31 =	sshll.u32 s1, $0xD;
	s1 =	sshrl.u32 s1, $0x2  }
0x37: {  	s3 =	sand.u32 $0x4000, s31;
	s1 =	sadd.s32 s1, s30  }
0x38: {  	s0 =	sor.u32 s3, s0;
	s1 =	sshll.u32 s1, $0x11  }
0x39: {  	s0 =	sor.u32 s1, s0  }
0x3a: {  	s0 =	sadd.s32 $0x8F2B, s0  }
0x3b: {  	[sflag:s0] =	ssyncadd.remote.s32 $0x1  }
0x3c: {  	_ =	sfence.sel $0xFFFF  }
0x3d: {  	[dreg:$0x0] =	wrdreg $0xFFFFFFFF;
	(pc) =	sbr.abs _section_cstart, $3  }
0x3e: {  	[dreg:$0x1] =	wrdreg $0xFFFFFFFF  }
0x3f: {  	_ =	task.clear_ibuf [dreg:s7], $0x2FFFF;
	_ =	strace $0x9FFFFFFF  }
0x40: {  	(tm) =	ssettm $0x7FFFFFFF  }
0x41: {  	_ =	shalt  }
tec
execute0_lowered:
.L_overlay_start_1:
0x0: {  	(tag) =	ssettag $0x1  }
0x1: {  	s0 =	stileid.u32;
	s1 =	srdreg.scid  }
0x2: {  	s5 =	rddreg [dreg:$0x0];
	s2 =	sshll.u32 s0, $0x5;
	s1 =	sshll.u32 s1, $0x9  }
0x3: {  	s3 =	rddreg [dreg:$0x1];
	s6 =	simm.s32 $0x1;
	s1 =	sor.u32 s2, s1  }
0x4: {  	s8 =	simm.s32 $0x2;
	s14 =	simm.s32 $0x0;
	s2 =	sand.u32 $0x380, s1  }
0x5: {  	s9 =	simm.s32 $0x4000;
	s15 =	simm.s32 $0x0;
	s4 =	ssub.s32 $0x800, s2  }
0x6: {  	s16 =	simm.s32 $0x0;
	s11 =	simm.s32 $0x0;
	s31 =	sand.u32 $0x380, s4  }
0x7: {  	s13 =	simm.s32 $0x0;
	s7 =	sand.u32 $0x3, s0;
	p0 =	sne.s32 s31, $0x0  }
.Ltmp0:
0x8: {  	s4 =	sshrl.u32 s4, $0xA;
	s6 =	simm.s32 @!p0 $0x0;
	(pc) =	sbr.rel .LBB1_1-.Ltmp0, $4  }
0x9: {  	s1 =	rddreg [dreg:$0x2];
	_ =	strace $0x8000004A;
	s6 =	sadd.s32 s6, s4  }
0xa: {  	s4 =	sadd.s32 $0x4C000, s5;
	s5 =	simm.s32 $0x1;
	s6 =	smul.u32 $0x43, s6  }
0xb: {  	s12 =	smov.u32 s7;
	s10 =	smov.u32 s2;
	[sflag:s5] =	ssyncpa.u1 $0x0  }
0xc: {  	p0 =	por $0x0, $0x0;
	[sflag:s8] =	ssyncpa.u1 $0x0;
	s8 =	sadd.s32 $0x1, s6  }
.LBB1_4:
0xd: {  	s16 =	smul.u32 $0x86000, s16  }
0xe: {  	s19 =	sshll.u32 s14, $0x3;
	s20 =	sand.u32 $0x78, s14;
	s15 =	sshll.u32 s15, $0xD  }
0xf: {  	s30 =	sand.u32 $0x1F00, s14;
	s19 =	sand.u32 $0x400, s19;
	s16 =	sadd.s32 s3, s16  }
0x10: {  	s31 =	sand.u32 $0x7, s14;
	s19 =	sor.u32 s20, s19;
	s15 =	sadd.s32 s15, s16  }
0x11: {  	s14 =	sshll.u32 s31, $0x12;
	s19 =	sshrl.u32 s19, $0x3;
	s15 =	sadd.s32 s30, s15  }
0x12: {  	[tilespmem:s18+$0x0 ss:$0x81] =	vst.msk $0xffff, v0;
	s14 =	sor.u32 $0x400, s14;
	s15 =	sadd.s32 s19, s15  }
0x13: {  	[hbm4b:s15+s14] =	stream.strided.scatter [tilespmem:s17], [sflag:$0x2], $0x1000, s9, s14, $0x20;
	[tilespmem:$0x4040] =	vst v63  }
.LBB1_5:
0x14: {  	s17 =	sadd.s32 $0x400, s10  }
0x15: {  	s14 =	simm.s32 $0x1;
	p2 =	sgt.s32 s17, $0x7FF  }
0x16: {  	s14 =	simm.s32 @!p2 $0x0  }
0x17: {  	s18 =	sadd.s32 s14, s11  }
0x18: {  	s20 =	smov.u32 s12;
	s14 =	sadd.s32 $0x4, s12;
	p3 =	sgt.s32 s18, $0x42  }
0x19: {  	s20 =	smov.u32 @p3 s14  }
0x1a: {  	p1 =	slt.u32 s13, $0x2;
	s17 =	smov.u32 @p2 s2;
	p2 =	sgt.s32 s20, $0x3  }
0x1b: {  	s19 =	simm.s32 @!p1 $0x2;
	s20 =	smov.u32 @p2 s7;
	p2 =	sne.s32 s13, s8  }
.Ltmp1:
0x1c: {  	_ =	swait.ge @!p1 [sflag:s19], $0x1000;
	(pc) =	sbr.rel @!p2 .LBB1_6-.Ltmp1, $4  }
0x1d: {  	s15 =	smov.u32 s11;
	[sflag:s19] =	ssyncset.done @!p1 $0x0  }
0x1e: {  	s16 =	smov.u32 s12;
	p0 =	por !p0, !p0;
	[sflag:s19] =	ssyncadd.s32 @!p1 $0xFFFFF000  }
0x1f: {  	s18 =	simm.s32 @p3 $0x0;
	s14 =	smov.u32 s10;
	s10 =	smov.u32 s17  }
0x20: {  	s11 =	smov.u32 s18;
	s13 =	sadd.s32 $0x1, s13;
	s12 =	smov.u32 s20  }
.LBB1_1:
0x21: {  	p1 =	sge.u32 s13, s6  }
0x22: {  	s18 =	smul.u32 @!p1 $0x218000, s12  }
0x23: {  	s31 =	sadd.s32 $0xFFFFFFFF, s13;
	s17 =	sxor.u32 @!p1 $0xFFFFFFFF, s13;
	s19 =	sshll.u32 @!p1 s11, $0xF  }
0x24: {  	s20 =	sshll.u32 @!p1 s10, $0x4;
	s17 =	sshll.u32 @!p1 s17, $0xC;
	s18 =	sadd.s32 @!p1 s4, s18  }
0x25: {  	s20 =	sand.u32 @!p1 $0x7FF0, s20;
	s17 =	sand.u32 @!p1 $0x1000, s17;
	s18 =	sadd.s32 @!p1 s19, s18  }
0x26: {  	s19 =	simm.s32 @!p1 $0x20;
	s18 =	sadd.s32 @!p1 s20, s18;
	s20 =	simm.s32 @!p1 $0x80  }
0x27: {  	[tilespmem:s17], [sflag:$0x1] =	stream.strided.gather @!p1 [hbm4b:s18+s19], $0x1000, s20, s19, $0x38;
	[tilespmem:$0x4040] =	vst v63  }
0x28: {  	p1 =	sge.u32 s31, s6  }
.Ltmp2:
0x29: {  	_ = 	snop;
	(pc) =	sbr.rel @p1 .LBB1_5-.Ltmp2, $1  }
0x2a: {  	_ =	sdelay $0x3  }
0x2b: {  	s17 =	simm.s32 $0x1  }
0x2c: {  	_ =	swait.ge [sflag:s5], $0x1000;
	s17 =	simm.s32 @!p0 $0x0  }
0x2d: {  	[sflag:s5] =	ssyncset.done $0x0;
	s18 =	sshll.u32 s17, $0xC  }
0x2e: {  	[sflag:s5] =	ssyncadd.s32 $0xFFFFF000;
	s21 =	sor.u32 $0x10, s18  }
0x2f: {  	s17 =	smul.u32 $0x4080, s17;
	v1 =	vld [tilespmem:s21+$0x0]  }
0x30: {  	s30 =	sand.u32 $0x1, s13;
	v0 =	vld [tilespmem:s21+$0xFFFFFFF0]  }
0x31: {  	s18 =	smul.u32 $0x4080, s30;
	s17 =	sshrl.u32 s17, $0x2  }
0x32: {  	s19 =	sor.u32 $0x2000, s17  }
0x33: {  	s31 =	sshrl.u32 s18, $0x2;
	s18 =	sadd.s32 $0x0, s19  }
0x34: {  	s20 =	simm.s32 $0x4;
	s21 =	sadd.s32 $0x20, s21;
	s17 =	sor.u32 $0x2000, s31;
	[tilespmem:s18+$0x810 ss:$0x81] =	vst.msk $0xffff, v1  }
.LBB1_3:
0x35: {  	v1 =	vld [tilespmem:s21+$0x0];
	p1 =	sne.s32 s20, $0x1FC;
	[tilespmem:s18+$0x0 ss:$0x81] =	vst.msk $0xffff, v0;
	s18 =	smov.u32 s20;
	s20 =	sadd.s32 $0x4, s20  }
.Ltmp3:
0x36: {  	v0 =	vld [tilespmem:s21+$0xFFFFFFF0];
	(pc) =	sbr.rel @p1 .LBB1_3-.Ltmp3, $4  }
0x37: {  	_ = 	snop  }
0x38: {  	s18 =	sshra.s32 s18, $0x2  }
0x39: {  	s18 =	sadd.s32 s18, s19  }
0x3a: {  	s21 =	sadd.s32 $0x20, s21;
	[tilespmem:s18+$0x810 ss:$0x81] =	vst.msk $0xffff, v1  }
.Ltmp4:
0x3b: {  	_ = 	snop;
	(pc) =	sbr.rel .LBB1_4-.Ltmp4, $1  }
0x3c: {  	_ =	sdelay $0x3  }
.LBB1_6:
0x3d: {  	_ =	sfence.sel $0x180000  }
0x3e: {  	s2 =	simm.s32 $0x1;
	[bflag:$0x0] =	sbarrier.arrive $0xFFFF  }
0x3f: {  	s31 =	simm.s32 $0x2;
	[sflag:s2] =	ssyncpa.u1 $0x1  }
0x40: {  	[sflag:s31] =	ssyncpa.u1 $0x1  }
0x41: {  	p0 =	sne.s32 s0, $0x0;
	_ =	strace $0x9000004A  }
0x42: {  	s0 =	sadd.s32 @!p0 $0x100000, s1;
	[bflag:$0x2] =	sbarrier.arrive $0xFFFF  }
0x43: {  	[sflag:s0] =	ssyncadd.tile.s32 @!p0 $0x1;
	_ =	shalt  }
.Lfunc_end1:
_tile_overlayer_lowered:
.L_overlay_start_2:
0x44: {  	(tag) =	ssettag $0x2  }
0x45: {  	s0 =	rddreg [dreg:$0x0];
	s2 =	stileid.u32  }
0x46: {  	s1 =	rddreg [dreg:$0x1];
	p0 =	sne.s32 s2, $0x0  }
0x47: {  	s3 =	rddreg [dreg:$0x2];
	[bflag:$0x3] =	sbarrier.arrive $0xFFFF;
	s2 =	simm.s32 @!p0 $0x1C01  }
0x48: {  	[timem:s3], [sflag:s2] =	dma.local @!p0 [hbm:s0], s1  }
0x49: {  	s0 =	simm.s32 @!p0 $0x1  }
0x4a: {  	_ =	swait.ge @!p0 [sflag:s0], s1  }
0x4b: {  	s1 =	ssub.s32 @!p0 $0x0, s1;
	[sflag:s0] =	ssyncset.done @!p0 $0x0  }
0x4c: {  	[sflag:s0] =	ssyncadd.s32 @!p0 s1  }
0x4d: {  	[bflag:$0x3] =	sbarrier.arrive $0xFFFF  }
0x4e: {  	_ =	shalt  }

</sc_bundles>
